<compile_context>
chip_gen: v7x
topology: tpu7x:2x2x1
jax: 0.10.2.dev20260603
libtpu: 0.0.44.dev20260713+nightly
codegen_flags: <defaults>
</compile_context>

<pallas_src>
import functools

import jax
import jax.numpy as jnp
from jax import lax
from jax.experimental import pallas as pl
from jax.experimental.pallas import tpu as pltpu
from jax.experimental.pallas import tpu_sc as plsc


def _sc_scores(V, D, B, K, chunk):
  info = plsc.get_sparse_core_info()
  NC, NS = info.num_cores, info.num_subcores
  NW = NC * NS
  P = K + 1
  assert B % NW == 0
  per_w = B // NW
  assert per_w % chunk == 0 and chunk % 16 == 0
  n_chunks = per_w // chunk
  n_groups = chunk // 16
  G = P * chunk
  mesh = plsc.VectorSubcoreMesh(core_axis_name="c", subcore_axis_name="s")

  @functools.partial(
      pl.kernel,
      mesh=mesh,
      compiler_params=pltpu.CompilerParams(needs_layout_passes=False),
      out_type=jax.ShapeDtypeStruct((P * B,), jnp.float32),
      scratch_types=[
          pltpu.VMEM((per_w,), jnp.int32),
          pltpu.VMEM((n_chunks * G,), jnp.int32),
          pltpu.VMEM((2, chunk, D), jnp.float32),
          pltpu.VMEM((2, G, D), jnp.float32),
          pltpu.VMEM((P * per_w,), jnp.float32),
          pltpu.SemaphoreType.DMA,
      ],
  )
  def k(in_hbm, out_hbm, cen_ids, rest_ids, scores_hbm,
        cidx_v, ridx_v, cen_v, oth_v, sc_v, sem):
    wid = lax.axis_index("s") * NC + lax.axis_index("c")
    base_w = wid * per_w
    lanes = lax.iota(jnp.int32, 16)
    perms = [lanes ^ (1 << t) for t in range(4)]
    gd = lax.GatherDimensionNumbers(
        offset_dims=(), collapsed_slice_dims=(0,), start_index_map=(0,))

    def shuffle(v, pm):
      return lax.gather(v, pm[:, None], gd, slice_sizes=(1,),
                        mode=lax.GatherScatterMode.PROMISE_IN_BOUNDS)

    pltpu.sync_copy(cen_ids.at[pl.ds(base_w, per_w)], cidx_v)
    pltpu.sync_copy(rest_ids.at[pl.ds(wid * n_chunks * G, n_chunks * G)],
                    ridx_v)


    def fire(c, buf):
      pltpu.async_copy(in_hbm.at[cidx_v.at[pl.ds(c * chunk, chunk)]],
                       cen_v.at[buf], sem)
      pltpu.async_copy(out_hbm.at[ridx_v.at[pl.ds(c * G, G)]],
                       oth_v.at[buf], sem)

    fire(0, 0)

    def chunk_body(c, carry):
      buf = lax.rem(c, 2)

      @pl.when(c + 1 < n_chunks)
      def _fire_next():
        fire(c + 1, lax.rem(c + 1, 2))

      pltpu.make_async_copy(in_hbm.at[pl.ds(0, chunk)], cen_v.at[buf],
                            sem).wait()
      pltpu.make_async_copy(out_hbm.at[pl.ds(0, G)], oth_v.at[buf],
                            sem).wait()

      pvec = lanes * per_w
      lt6 = lanes < P

      @plsc.parallel_loop(0, chunk, unroll=8)
      def row_body(row):
        accs = [None] * P
        for j in range(D // 16):
          cv = cen_v[buf, row, pl.ds(16 * j, 16)]
          for p in range(P):
            t = cv * oth_v[buf, p * chunk + row, pl.ds(16 * j, 16)]
            accs[p] = t if j == 0 else accs[p] + t
        svec = jnp.zeros((16,), jnp.float32)
        for p in range(P):
          s = accs[p]
          for pm in perms:
            s = s + shuffle(s, pm)
          svec = jnp.where(lanes == p, s, svec)
        plsc.store_scatter(sc_v, [pvec + (c * chunk + row)], svec, mask=lt6)

      return carry

    lax.fori_loop(0, n_chunks, chunk_body, 0)
    for p in range(P):
      pltpu.sync_copy(sc_v.at[pl.ds(p * per_w, per_w)],
                      scores_hbm.at[pl.ds(p * B + base_w, per_w)])

  return k


def _tc_loss_body(scores_ref, acc_ref, *, n_pos, n_neg):
  scores = scores_ref[...]
  pos = scores[0]
  neg = scores[1:]
  pos_terms = -jnp.log(jax.nn.sigmoid(pos) + 1e-08)
  neg_terms = -jnp.log(jax.nn.sigmoid(-neg) + 1e-08)
  acc_ref[...] = jnp.full((1, 1), jnp.sum(pos_terms) / n_pos +
                          jnp.sum(neg_terms) / n_neg)


def kernel(in_embed, out_embed, center_ids, context_ids, negative_ids,
           vocab_size):
  V, D = in_embed.shape
  B = center_ids.shape[0]
  K = negative_ids.shape[0]
  P = K + 1
  chunk = 64
  info = plsc.get_sparse_core_info()
  NW = info.num_cores * info.num_subcores
  per_w = B // NW
  n_chunks = per_w // chunk

  rest_ids = jnp.concatenate([context_ids, negative_ids.reshape(-1)])
  rids = rest_ids.reshape(P, NW, n_chunks, chunk).transpose(1, 2, 0, 3)
  scores = _sc_scores(V, D, B, K, chunk)(
      in_embed, out_embed, center_ids, rids.reshape(-1))
  scores = scores.reshape(P, B)

  acc = pl.pallas_call(
      functools.partial(_tc_loss_body, n_pos=float(B), n_neg=float(K * B)),
      out_shape=jax.ShapeDtypeStruct((1, 1), jnp.float32),
  )(scores)
  return acc[0, 0]

# --- scband reference (transcript-rebuilt; emitter-appended) ---
"""Pipeline reference for scband-negative-sampling-loss-57604101374436 (READ-ONLY COPY).

The authoritative reference and input builder live on the scoring server;
editing this copy changes nothing except your own understanding.
"""

import jax, jax.numpy as jnp
import numpy as np

VOCAB = 100000
D = 128
B = 16384
K = 5


def setup_inputs(seed: int = 0) -> dict:
    key = jax.random.key(seed)
    k1, k2, k3, k4, k5 = jax.random.split(key, 5)
    return {
        "in_embed": jax.random.normal(k1, (VOCAB, D), dtype=jnp.float32) * 0.1,
        "out_embed": jax.random.normal(k2, (VOCAB, D), dtype=jnp.float32) * 0.1,
        "center_ids": jax.random.randint(k3, (B,), 0, VOCAB, dtype=jnp.int32),
        "context_ids": jax.random.randint(k4, (B,), 0, VOCAB, dtype=jnp.int32),
        "negative_ids": jax.random.randint(k5, (K, B), 0, VOCAB, dtype=jnp.int32),
        "vocab_size": VOCAB,
    }


def reference(in_embed, out_embed, center_ids, context_ids, negative_ids, vocab_size):
    # model(center, context) == dot(in_embed[center], out_embed[context])  (skip-gram WordEmbeddings)
    center_vecs = jnp.take(in_embed, center_ids, axis=0)            # [B, D]
    context_vecs = jnp.take(out_embed, context_ids, axis=0)         # [B, D]
    positive_scores = jnp.sum(center_vecs * context_vecs, axis=-1)  # [B]
    positive_loss = -jnp.mean(jnp.log(jax.nn.sigmoid(positive_scores) + 1e-08))

    # negatives: randint draws in torch are replaced by precomputed negative_ids [K, B]
    neg_vecs = jnp.take(out_embed, negative_ids, axis=0)            # [K, B, D]
    negative_scores = jnp.sum(center_vecs[None, :, :] * neg_vecs, axis=-1)  # [K, B]
    # torch: sum over K of per-draw batch means, then / K  ==  mean over (K, B)
    negative_loss = jnp.mean(-jnp.log(jax.nn.sigmoid(-negative_scores) + 1e-08))

    return positive_loss + negative_loss

if __name__ == "__main__":
    import jax
    _d = setup_inputs()
    print(jax.jit(kernel)(*tuple(_d.values())))

</pallas_src>

<mosaic_0001>
#map = affine_map<(d0, d1) -> (0, 0)>
#map1 = affine_map<(d0, d1) -> (0)>
module attributes {stable_mosaic.version = 14 : i64} {
  func.func @k(%arg0: i32, %arg1: i32, %arg2: memref<100000x128xf32, #tpu.memory_space<hbm>>, %arg3: memref<100000x128xf32, #tpu.memory_space<hbm>>, %arg4: memref<16384xi32, #tpu.memory_space<hbm>>, %arg5: memref<98304xi32, #tpu.memory_space<hbm>>, %arg6: memref<98304xf32, #tpu.memory_space<hbm>>, %arg7: memref<512xi32, #tpu.memory_space<vmem>>, %arg8: memref<3072xi32, #tpu.memory_space<vmem>>, %arg9: memref<2x64x128xf32, #tpu.memory_space<vmem>>, %arg10: memref<2x384x128xf32, #tpu.memory_space<vmem>>, %arg11: memref<3072xf32, #tpu.memory_space<vmem>>, %arg12: memref<!tpu.dma_semaphore, #tpu.memory_space<semaphore_mem>>) attributes {dimension_semantics = [#tpu.dimension_semantics<core_parallel>, #tpu.dimension_semantics<subcore_parallel>], iteration_bounds = array<i64: 2, 16>, scalar_prefetch = 0 : i64, scratch_operands = 6 : i64, tpu.core_type = #tpu.core_type<sc_vector_subcore>, window_params = [{transform_indices = #map}, {transform_indices = #map}, {transform_indices = #map1}, {transform_indices = #map1}, {transform_indices = #map1}]} {
    %mul3A = arith.constant 2 : i32
    %mul3A_0 = arith.muli %arg1, %mul3A : i32
    %add3A = arith.addi %mul3A_0, %arg0 : i32
    %mul3A_1 = arith.constant 512 : i32
    %mul3A_2 = arith.muli %add3A, %mul3A_1 : i32
    %iota3A = tpu.iota {dimensions = array<i32: 0>} : vector<16xi32>
    %xor3A = arith.constant 1 : i32
    %xor3A_3 = vector.broadcast %xor3A : i32 to vector<16xi32>
    %xor3A_4 = arith.xori %iota3A, %xor3A_3 : vector<16xi32>
    %xor3A_5 = arith.constant 2 : i32
    %xor3A_6 = vector.broadcast %xor3A_5 : i32 to vector<16xi32>
    %xor3A_7 = arith.xori %iota3A, %xor3A_6 : vector<16xi32>
    %xor3A_8 = arith.constant 4 : i32
    %xor3A_9 = vector.broadcast %xor3A_8 : i32 to vector<16xi32>
    %xor3A_10 = arith.xori %iota3A, %xor3A_9 : vector<16xi32>
    %xor3A_11 = arith.constant 8 : i32
    %xor3A_12 = vector.broadcast %xor3A_11 : i32 to vector<16xi32>
    %xor3A_13 = arith.xori %iota3A, %xor3A_12 : vector<16xi32>
    "tpu.region"() ({
      %run_scoped3A = tpu.sem_alloc : memref<!tpu.dma_semaphore, #tpu.memory_space<semaphore_mem>>
      %dma_start3A_54 = tpu.memref_slice %arg4[%mul3A_2] : memref<16384xi32, #tpu.memory_space<hbm>> -> memref<512xi32, #tpu.memory_space<hbm>>
      %dma_start3A_55 = tpu.memref_slice %arg4[%mul3A_2] : memref<16384xi32, #tpu.memory_space<hbm>> -> memref<512xi32, #tpu.memory_space<hbm>>
      tpu.enqueue_dma source(%dma_start3A_55 : memref<512xi32, #tpu.memory_space<hbm>>) target(%arg7 : memref<512xi32, #tpu.memory_space<vmem>>) target_semaphore(%run_scoped3A : memref<!tpu.dma_semaphore, #tpu.memory_space<semaphore_mem>>)
      %dma_wait3A = tpu.memref_slice %arg4[%mul3A_2] : memref<16384xi32, #tpu.memory_space<hbm>> -> memref<512xi32, #tpu.memory_space<hbm>>
      %dma_wait3A_56 = tpu.memref_slice %arg4[%mul3A_2] : memref<16384xi32, #tpu.memory_space<hbm>> -> memref<512xi32, #tpu.memory_space<hbm>>
      tpu.wait_dma2 semaphore(%run_scoped3A : memref<!tpu.dma_semaphore, #tpu.memory_space<semaphore_mem>>) src(%dma_wait3A_56 : memref<512xi32, #tpu.memory_space<hbm>>) dst(%arg7 : memref<512xi32, #tpu.memory_space<vmem>>)
      tpu.yield
    }) : () -> ()
    %mul3A_14 = arith.constant 8 : i32
    %mul3A_15 = arith.muli %add3A, %mul3A_14 : i32
    %mul3A_16 = arith.constant 384 : i32
    %mul3A_17 = arith.muli %mul3A_15, %mul3A_16 : i32
    "tpu.region"() ({
      %run_scoped3A = tpu.sem_alloc : memref<!tpu.dma_semaphore, #tpu.memory_space<semaphore_mem>>
      %dma_start3A_54 = tpu.memref_slice %arg5[%mul3A_17] : memref<98304xi32, #tpu.memory_space<hbm>> -> memref<3072xi32, #tpu.memory_space<hbm>>
      %dma_start3A_55 = tpu.memref_slice %arg5[%mul3A_17] : memref<98304xi32, #tpu.memory_space<hbm>> -> memref<3072xi32, #tpu.memory_space<hbm>>
      tpu.enqueue_dma source(%dma_start3A_55 : memref<3072xi32, #tpu.memory_space<hbm>>) target(%arg8 : memref<3072xi32, #tpu.memory_space<vmem>>) target_semaphore(%run_scoped3A : memref<!tpu.dma_semaphore, #tpu.memory_space<semaphore_mem>>)
      %dma_wait3A = tpu.memref_slice %arg5[%mul3A_17] : memref<98304xi32, #tpu.memory_space<hbm>> -> memref<3072xi32, #tpu.memory_space<hbm>>
      %dma_wait3A_56 = tpu.memref_slice %arg5[%mul3A_17] : memref<98304xi32, #tpu.memory_space<hbm>> -> memref<3072xi32, #tpu.memory_space<hbm>>
      tpu.wait_dma2 semaphore(%run_scoped3A : memref<!tpu.dma_semaphore, #tpu.memory_space<semaphore_mem>>) src(%dma_wait3A_56 : memref<3072xi32, #tpu.memory_space<hbm>>) dst(%arg8 : memref<3072xi32, #tpu.memory_space<vmem>>)
      tpu.yield
    }) : () -> ()
    %dma_start3A = arith.constant 0 : i32
    %dma_start3A_18 = arith.constant 0 : i32
    %dma_start3A_19 = arith.constant 0 : i32
    %dma_start3A_20 = tpu.memref_slice %arg9[%dma_start3A, %dma_start3A_18, %dma_start3A_19] : memref<2x64x128xf32, #tpu.memory_space<vmem>> -> memref<1x64x128xf32, #tpu.memory_space<vmem>>
    %dma_start3A_21 = tpu.memref_squeeze %dma_start3A_20 : memref<1x64x128xf32, #tpu.memory_space<vmem>> -> memref<64x128xf32, #tpu.memory_space<vmem>>
    %dma_start3A_22 = arith.constant 0 : i32
    %dma_start3A_23 = tpu.memref_slice %arg7[%dma_start3A_22] : memref<512xi32, #tpu.memory_space<vmem>> -> memref<64xi32, #tpu.memory_space<vmem>>
    %dma_start3A_24 = arith.constant 0 : i32
    %dma_start3A_25 = arith.constant 0 : i32
    %dma_start3A_26 = tpu.memref_slice %arg2[%dma_start3A_24, %dma_start3A_25] : memref<100000x128xf32, #tpu.memory_space<hbm>> -> memref<100000x128xf32, #tpu.memory_space<hbm>>
    tpu.enqueue_indirect_dma source(%dma_start3A_26 : memref<100000x128xf32, #tpu.memory_space<hbm>>) target(%dma_start3A_21 : memref<64x128xf32, #tpu.memory_space<vmem>>) offsets(%dma_start3A_23 : memref<64xi32, #tpu.memory_space<vmem>>) semaphore(%arg12 : memref<!tpu.dma_semaphore, #tpu.memory_space<semaphore_mem>>)
    %dma_start3A_27 = arith.constant 0 : i32
    %dma_start3A_28 = arith.constant 0 : i32
    %dma_start3A_29 = arith.constant 0 : i32
    %dma_start3A_30 = tpu.memref_slice %arg10[%dma_start3A_27, %dma_start3A_28, %dma_start3A_29] : memref<2x384x128xf32, #tpu.memory_space<vmem>> -> memref<1x384x128xf32, #tpu.memory_space<vmem>>
    %dma_start3A_31 = tpu.memref_squeeze %dma_start3A_30 : memref<1x384x128xf32, #tpu.memory_space<vmem>> -> memref<384x128xf32, #tpu.memory_space<vmem>>
    %dma_start3A_32 = arith.constant 0 : i32
    %dma_start3A_33 = tpu.memref_slice %arg8[%dma_start3A_32] : memref<3072xi32, #tpu.memory_space<vmem>> -> memref<384xi32, #tpu.memory_space<vmem>>
    %dma_start3A_34 = arith.constant 0 : i32
    %dma_start3A_35 = arith.constant 0 : i32
    %dma_start3A_36 = tpu.memref_slice %arg3[%dma_start3A_34, %dma_start3A_35] : memref<100000x128xf32, #tpu.memory_space<hbm>> -> memref<100000x128xf32, #tpu.memory_space<hbm>>
    tpu.enqueue_indirect_dma source(%dma_start3A_36 : memref<100000x128xf32, #tpu.memory_space<hbm>>) target(%dma_start3A_31 : memref<384x128xf32, #tpu.memory_space<vmem>>) offsets(%dma_start3A_33 : memref<384xi32, #tpu.memory_space<vmem>>) semaphore(%arg12 : memref<!tpu.dma_semaphore, #tpu.memory_space<semaphore_mem>>)
    %scan3A = arith.constant 0 : i32
    %scan3A_37 = arith.constant 0 : i32
    %scan3A_38 = arith.constant 8 : i32
    %scan3A_39 = arith.addi %scan3A_37, %scan3A_38 : i32
    %scan3A_40 = arith.constant 1 : i32
    scf.for %scan3A_54 = %scan3A_37 to %scan3A_39 step %scan3A_40  : i32 {
      %rem3A = arith.constant 2 : i32
      %rem3A_55 = arith.remsi %scan3A_54, %rem3A : i32
      %add3A_56 = arith.constant 1 : i32
      %add3A_57 = arith.addi %scan3A_54, %add3A_56 : i32
      %lt3A = arith.constant 8 : i32
      %lt3A_58 = arith.cmpi slt, %add3A_57, %lt3A : i32
      %convert_element_type3A = arith.extui %lt3A_58 : i1 to i32
      %cond3A = arith.constant 0 : i32
      %cond3A_59 = arith.cmpi ne, %convert_element_type3A, %cond3A : i32
      scf.if %cond3A_59 {
        %add3A_95 = arith.constant 1 : i32
        %add3A_96 = arith.addi %scan3A_54, %add3A_95 : i32
        %add3A_97 = arith.constant 1 : i32
        %add3A_98 = arith.addi %scan3A_54, %add3A_97 : i32
        %rem3A_99 = arith.constant 2 : i32
        %rem3A_100 = arith.remsi %add3A_98, %rem3A_99 : i32
        %mul3A_101 = arith.constant 64 : i32
        %mul3A_102 = arith.muli %add3A_96, %mul3A_101 : i32
        %dma_start3A_103 = arith.constant 0 : i32
        %dma_start3A_104 = arith.constant 0 : i32
        %dma_start3A_105 = tpu.memref_slice %arg9[%rem3A_100, %dma_start3A_103, %dma_start3A_104] : memref<2x64x128xf32, #tpu.memory_space<vmem>> -> memref<1x64x128xf32, #tpu.memory_space<vmem>>
        %dma_start3A_106 = tpu.memref_squeeze %dma_start3A_105 : memref<1x64x128xf32, #tpu.memory_space<vmem>> -> memref<64x128xf32, #tpu.memory_space<vmem>>
        %dma_start3A_107 = tpu.memref_slice %arg7[%mul3A_102] : memref<512xi32, #tpu.memory_space<vmem>> -> memref<64xi32, #tpu.memory_space<vmem>>
        %dma_start3A_108 = arith.constant 0 : i32
        %dma_start3A_109 = arith.constant 0 : i32
        %dma_start3A_110 = tpu.memref_slice %arg2[%dma_start3A_108, %dma_start3A_109] : memref<100000x128xf32, #tpu.memory_space<hbm>> -> memref<100000x128xf32, #tpu.memory_space<hbm>>
        tpu.enqueue_indirect_dma source(%dma_start3A_110 : memref<100000x128xf32, #tpu.memory_space<hbm>>) target(%dma_start3A_106 : memref<64x128xf32, #tpu.memory_space<vmem>>) offsets(%dma_start3A_107 : memref<64xi32, #tpu.memory_space<vmem>>) semaphore(%arg12 : memref<!tpu.dma_semaphore, #tpu.memory_space<semaphore_mem>>)
        %mul3A_111 = arith.constant 384 : i32
        %mul3A_112 = arith.muli %add3A_96, %mul3A_111 : i32
        %dma_start3A_113 = arith.constant 0 : i32
        %dma_start3A_114 = arith.constant 0 : i32
        %dma_start3A_115 = tpu.memref_slice %arg10[%rem3A_100, %dma_start3A_113, %dma_start3A_114] : memref<2x384x128xf32, #tpu.memory_space<vmem>> -> memref<1x384x128xf32, #tpu.memory_space<vmem>>
        %dma_start3A_116 = tpu.memref_squeeze %dma_start3A_115 : memref<1x384x128xf32, #tpu.memory_space<vmem>> -> memref<384x128xf32, #tpu.memory_space<vmem>>
        %dma_start3A_117 = tpu.memref_slice %arg8[%mul3A_112] : memref<3072xi32, #tpu.memory_space<vmem>> -> memref<384xi32, #tpu.memory_space<vmem>>
        %dma_start3A_118 = arith.constant 0 : i32
        %dma_start3A_119 = arith.constant 0 : i32
        %dma_start3A_120 = tpu.memref_slice %arg3[%dma_start3A_118, %dma_start3A_119] : memref<100000x128xf32, #tpu.memory_space<hbm>> -> memref<100000x128xf32, #tpu.memory_space<hbm>>
        tpu.enqueue_indirect_dma source(%dma_start3A_120 : memref<100000x128xf32, #tpu.memory_space<hbm>>) target(%dma_start3A_116 : memref<384x128xf32, #tpu.memory_space<vmem>>) offsets(%dma_start3A_117 : memref<384xi32, #tpu.memory_space<vmem>>) semaphore(%arg12 : memref<!tpu.dma_semaphore, #tpu.memory_space<semaphore_mem>>)
      } else {
      }
      %dma_wait3A = arith.constant 0 : i32
      %dma_wait3A_60 = arith.constant 0 : i32
      %dma_wait3A_61 = tpu.memref_slice %arg9[%rem3A_55, %dma_wait3A, %dma_wait3A_60] : memref<2x64x128xf32, #tpu.memory_space<vmem>> -> memref<1x64x128xf32, #tpu.memory_space<vmem>>
      %dma_wait3A_62 = tpu.memref_squeeze %dma_wait3A_61 : memref<1x64x128xf32, #tpu.memory_space<vmem>> -> memref<64x128xf32, #tpu.memory_space<vmem>>
      %dma_wait3A_63 = arith.constant 0 : i32
      %dma_wait3A_64 = arith.constant 0 : i32
      %dma_wait3A_65 = tpu.memref_slice %arg2[%dma_wait3A_63, %dma_wait3A_64] : memref<100000x128xf32, #tpu.memory_space<hbm>> -> memref<64x128xf32, #tpu.memory_space<hbm>>
      %dma_wait3A_66 = arith.constant 0 : i32
      %dma_wait3A_67 = arith.constant 0 : i32
      %dma_wait3A_68 = tpu.memref_slice %arg9[%rem3A_55, %dma_wait3A_66, %dma_wait3A_67] : memref<2x64x128xf32, #tpu.memory_space<vmem>> -> memref<1x64x128xf32, #tpu.memory_space<vmem>>
      %dma_wait3A_69 = tpu.memref_squeeze %dma_wait3A_68 : memref<1x64x128xf32, #tpu.memory_space<vmem>> -> memref<64x128xf32, #tpu.memory_space<vmem>>
      %dma_wait3A_70 = arith.constant 0 : i32
      %dma_wait3A_71 = arith.constant 0 : i32
      %dma_wait3A_72 = tpu.memref_slice %arg2[%dma_wait3A_70, %dma_wait3A_71] : memref<100000x128xf32, #tpu.memory_space<hbm>> -> memref<64x128xf32, #tpu.memory_space<hbm>>
      tpu.wait_dma2 semaphore(%arg12 : memref<!tpu.dma_semaphore, #tpu.memory_space<semaphore_mem>>) src(%dma_wait3A_72 : memref<64x128xf32, #tpu.memory_space<hbm>>) dst(%dma_wait3A_69 : memref<64x128xf32, #tpu.memory_space<vmem>>)
      %dma_wait3A_73 = arith.constant 0 : i32
      %dma_wait3A_74 = arith.constant 0 : i32
      %dma_wait3A_75 = tpu.memref_slice %arg10[%rem3A_55, %dma_wait3A_73, %dma_wait3A_74] : memref<2x384x128xf32, #tpu.memory_space<vmem>> -> memref<1x384x128xf32, #tpu.memory_space<vmem>>
      %dma_wait3A_76 = tpu.memref_squeeze %dma_wait3A_75 : memref<1x384x128xf32, #tpu.memory_space<vmem>> -> memref<384x128xf32, #tpu.memory_space<vmem>>
      %dma_wait3A_77 = arith.constant 0 : i32
      %dma_wait3A_78 = arith.constant 0 : i32
      %dma_wait3A_79 = tpu.memref_slice %arg3[%dma_wait3A_77, %dma_wait3A_78] : memref<100000x128xf32, #tpu.memory_space<hbm>> -> memref<384x128xf32, #tpu.memory_space<hbm>>
      %dma_wait3A_80 = arith.constant 0 : i32
      %dma_wait3A_81 = arith.constant 0 : i32
      %dma_wait3A_82 = tpu.memref_slice %arg10[%rem3A_55, %dma_wait3A_80, %dma_wait3A_81] : memref<2x384x128xf32, #tpu.memory_space<vmem>> -> memref<1x384x128xf32, #tpu.memory_space<vmem>>
      %dma_wait3A_83 = tpu.memref_squeeze %dma_wait3A_82 : memref<1x384x128xf32, #tpu.memory_space<vmem>> -> memref<384x128xf32, #tpu.memory_space<vmem>>
      %dma_wait3A_84 = arith.constant 0 : i32
      %dma_wait3A_85 = arith.constant 0 : i32
      %dma_wait3A_86 = tpu.memref_slice %arg3[%dma_wait3A_84, %dma_wait3A_85] : memref<100000x128xf32, #tpu.memory_space<hbm>> -> memref<384x128xf32, #tpu.memory_space<hbm>>
      tpu.wait_dma2 semaphore(%arg12 : memref<!tpu.dma_semaphore, #tpu.memory_space<semaphore_mem>>) src(%dma_wait3A_86 : memref<384x128xf32, #tpu.memory_space<hbm>>) dst(%dma_wait3A_83 : memref<384x128xf32, #tpu.memory_space<vmem>>)
      %mul3A_87 = arith.constant 512 : i32
      %mul3A_88 = vector.broadcast %mul3A_87 : i32 to vector<16xi32>
      %mul3A_89 = arith.muli %iota3A, %mul3A_88 : vector<16xi32>
      %lt3A_90 = arith.constant 6 : i32
      %lt3A_91 = vector.broadcast %lt3A_90 : i32 to vector<16xi32>
      %lt3A_92 = arith.cmpi slt, %iota3A, %lt3A_91 : vector<16xi32>
      %parallel_loop3A = arith.constant 0 : i32
      %parallel_loop3A_93 = arith.constant 64 : i32
      %parallel_loop3A_94 = arith.constant 1 : i32
      scf.for %parallel_loop3A_95 = %parallel_loop3A to %parallel_loop3A_93 step %parallel_loop3A_94  : i32 {
        %parallel_loop3A_96 = arith.index_cast %rem3A_55 : i32 to index
        %parallel_loop3A_97 = arith.index_cast %parallel_loop3A_95 : i32 to index
        %parallel_loop3A_98 = arith.constant 0 : index
        %parallel_loop3A_99 = tpu.vector_load %arg9[%parallel_loop3A_96, %parallel_loop3A_97, %parallel_loop3A_98] {strides = array<i32>} : memref<2x64x128xf32, #tpu.memory_space<vmem>>, vector<16xf32>,
        %parallel_loop3A_100 = arith.constant 0 : i32
        %parallel_loop3A_101 = arith.addi %parallel_loop3A_100, %parallel_loop3A_95 : i32
        %parallel_loop3A_102 = arith.index_cast %rem3A_55 : i32 to index
        %parallel_loop3A_103 = arith.index_cast %parallel_loop3A_101 : i32 to index
        %parallel_loop3A_104 = arith.constant 0 : index
        %parallel_loop3A_105 = tpu.vector_load %arg10[%parallel_loop3A_102, %parallel_loop3A_103, %parallel_loop3A_104] {strides = array<i32>} : memref<2x384x128xf32, #tpu.memory_space<vmem>>, vector<16xf32>,
        %parallel_loop3A_106 = arith.mulf %parallel_loop3A_99, %parallel_loop3A_105 : vector<16xf32>
        %parallel_loop3A_107 = arith.constant 64 : i32
        %parallel_loop3A_108 = arith.addi %parallel_loop3A_107, %parallel_loop3A_95 : i32
        %parallel_loop3A_109 = arith.index_cast %rem3A_55 : i32 to index
        %parallel_loop3A_110 = arith.index_cast %parallel_loop3A_108 : i32 to index
        %parallel_loop3A_111 = arith.constant 0 : index
        %parallel_loop3A_112 = tpu.vector_load %arg10[%parallel_loop3A_109, %parallel_loop3A_110, %parallel_loop3A_111] {strides = array<i32>} : memref<2x384x128xf32, #tpu.memory_space<vmem>>, vector<16xf32>,
        %parallel_loop3A_113 = arith.mulf %parallel_loop3A_99, %parallel_loop3A_112 : vector<16xf32>
        %parallel_loop3A_114 = arith.constant 128 : i32
        %parallel_loop3A_115 = arith.addi %parallel_loop3A_114, %parallel_loop3A_95 : i32
        %parallel_loop3A_116 = arith.index_cast %rem3A_55 : i32 to index
        %parallel_loop3A_117 = arith.index_cast %parallel_loop3A_115 : i32 to index
        %parallel_loop3A_118 = arith.constant 0 : index
        %parallel_loop3A_119 = tpu.vector_load %arg10[%parallel_loop3A_116, %parallel_loop3A_117, %parallel_loop3A_118] {strides = array<i32>} : memref<2x384x128xf32, #tpu.memory_space<vmem>>, vector<16xf32>,
        %parallel_loop3A_120 = arith.mulf %parallel_loop3A_99, %parallel_loop3A_119 : vector<16xf32>
        %parallel_loop3A_121 = arith.constant 192 : i32
        %parallel_loop3A_122 = arith.addi %parallel_loop3A_121, %parallel_loop3A_95 : i32
        %parallel_loop3A_123 = arith.index_cast %rem3A_55 : i32 to index
        %parallel_loop3A_124 = arith.index_cast %parallel_loop3A_122 : i32 to index
        %parallel_loop3A_125 = arith.constant 0 : index
        %parallel_loop3A_126 = tpu.vector_load %arg10[%parallel_loop3A_123, %parallel_loop3A_124, %parallel_loop3A_125] {strides = array<i32>} : memref<2x384x128xf32, #tpu.memory_space<vmem>>, vector<16xf32>,
        %parallel_loop3A_127 = arith.mulf %parallel_loop3A_99, %parallel_loop3A_126 : vector<16xf32>
        %parallel_loop3A_128 = arith.constant 256 : i32
        %parallel_loop3A_129 = arith.addi %parallel_loop3A_128, %parallel_loop3A_95 : i32
        %parallel_loop3A_130 = arith.index_cast %rem3A_55 : i32 to index
        %parallel_loop3A_131 = arith.index_cast %parallel_loop3A_129 : i32 to index
        %parallel_loop3A_132 = arith.constant 0 : index
        %parallel_loop3A_133 = tpu.vector_load %arg10[%parallel_loop3A_130, %parallel_loop3A_131, %parallel_loop3A_132] {strides = array<i32>} : memref<2x384x128xf32, #tpu.memory_space<vmem>>, vector<16xf32>,
        %parallel_loop3A_134 = arith.mulf %parallel_loop3A_99, %parallel_loop3A_133 : vector<16xf32>
        %parallel_loop3A_135 = arith.constant 320 : i32
        %parallel_loop3A_136 = arith.addi %parallel_loop3A_135, %parallel_loop3A_95 : i32
        %parallel_loop3A_137 = arith.index_cast %rem3A_55 : i32 to index
        %parallel_loop3A_138 = arith.index_cast %parallel_loop3A_136 : i32 to index
        %parallel_loop3A_139 = arith.constant 0 : index
        %parallel_loop3A_140 = tpu.vector_load %arg10[%parallel_loop3A_137, %parallel_loop3A_138, %parallel_loop3A_139] {strides = array<i32>} : memref<2x384x128xf32, #tpu.memory_space<vmem>>, vector<16xf32>,
        %parallel_loop3A_141 = arith.mulf %parallel_loop3A_99, %parallel_loop3A_140 : vector<16xf32>
        %parallel_loop3A_142 = arith.index_cast %rem3A_55 : i32 to index
        %parallel_loop3A_143 = arith.index_cast %parallel_loop3A_95 : i32 to index
        %parallel_loop3A_144 = arith.constant 16 : index
        %parallel_loop3A_145 = tpu.vector_load %arg9[%parallel_loop3A_142, %parallel_loop3A_143, %parallel_loop3A_144] {strides = array<i32>} : memref<2x64x128xf32, #tpu.memory_space<vmem>>, vector<16xf32>,
        %parallel_loop3A_146 = arith.constant 0 : i32
        %parallel_loop3A_147 = arith.addi %parallel_loop3A_146, %parallel_loop3A_95 : i32
        %parallel_loop3A_148 = arith.index_cast %rem3A_55 : i32 to index
        %parallel_loop3A_149 = arith.index_cast %parallel_loop3A_147 : i32 to index
        %parallel_loop3A_150 = arith.constant 16 : index
        %parallel_loop3A_151 = tpu.vector_load %arg10[%parallel_loop3A_148, %parallel_loop3A_149, %parallel_loop3A_150] {strides = array<i32>} : memref<2x384x128xf32, #tpu.memory_space<vmem>>, vector<16xf32>,
        %parallel_loop3A_152 = arith.mulf %parallel_loop3A_145, %parallel_loop3A_151 : vector<16xf32>
        %parallel_loop3A_153 = arith.addf %parallel_loop3A_106, %parallel_loop3A_152 : vector<16xf32>
        %parallel_loop3A_154 = arith.constant 64 : i32
        %parallel_loop3A_155 = arith.addi %parallel_loop3A_154, %parallel_loop3A_95 : i32
        %parallel_loop3A_156 = arith.index_cast %rem3A_55 : i32 to index
        %parallel_loop3A_157 = arith.index_cast %parallel_loop3A_155 : i32 to index
        %parallel_loop3A_158 = arith.constant 16 : index
        %parallel_loop3A_159 = tpu.vector_load %arg10[%parallel_loop3A_156, %parallel_loop3A_157, %parallel_loop3A_158] {strides = array<i32>} : memref<2x384x128xf32, #tpu.memory_space<vmem>>, vector<16xf32>,
        %parallel_loop3A_160 = arith.mulf %parallel_loop3A_145, %parallel_loop3A_159 : vector<16xf32>
        %parallel_loop3A_161 = arith.addf %parallel_loop3A_113, %parallel_loop3A_160 : vector<16xf32>
        %parallel_loop3A_162 = arith.constant 128 : i32
        %parallel_loop3A_163 = arith.addi %parallel_loop3A_162, %parallel_loop3A_95 : i32
        %parallel_loop3A_164 = arith.index_cast %rem3A_55 : i32 to index
        %parallel_loop3A_165 = arith.index_cast %parallel_loop3A_163 : i32 to index
        %parallel_loop3A_166 = arith.constant 16 : index
        %parallel_loop3A_167 = tpu.vector_load %arg10[%parallel_loop3A_164, %parallel_loop3A_165, %parallel_loop3A_166] {strides = array<i32>} : memref<2x384x128xf32, #tpu.memory_space<vmem>>, vector<16xf32>,
        %parallel_loop3A_168 = arith.mulf %parallel_loop3A_145, %parallel_loop3A_167 : vector<16xf32>
        %parallel_loop3A_169 = arith.addf %parallel_loop3A_120, %parallel_loop3A_168 : vector<16xf32>
        %parallel_loop3A_170 = arith.constant 192 : i32
        %parallel_loop3A_171 = arith.addi %parallel_loop3A_170, %parallel_loop3A_95 : i32
        %parallel_loop3A_172 = arith.index_cast %rem3A_55 : i32 to index
        %parallel_loop3A_173 = arith.index_cast %parallel_loop3A_171 : i32 to index
        %parallel_loop3A_174 = arith.constant 16 : index
        %parallel_loop3A_175 = tpu.vector_load %arg10[%parallel_loop3A_172, %parallel_loop3A_173, %parallel_loop3A_174] {strides = array<i32>} : memref<2x384x128xf32, #tpu.memory_space<vmem>>, vector<16xf32>,
        %parallel_loop3A_176 = arith.mulf %parallel_loop3A_145, %parallel_loop3A_175 : vector<16xf32>
        %parallel_loop3A_177 = arith.addf %parallel_loop3A_127, %parallel_loop3A_176 : vector<16xf32>
        %parallel_loop3A_178 = arith.constant 256 : i32
        %parallel_loop3A_179 = arith.addi %parallel_loop3A_178, %parallel_loop3A_95 : i32
        %parallel_loop3A_180 = arith.index_cast %rem3A_55 : i32 to index
        %parallel_loop3A_181 = arith.index_cast %parallel_loop3A_179 : i32 to index
        %parallel_loop3A_182 = arith.constant 16 : index
        %parallel_loop3A_183 = tpu.vector_load %arg10[%parallel_loop3A_180, %parallel_loop3A_181, %parallel_loop3A_182] {strides = array<i32>} : memref<2x384x128xf32, #tpu.memory_space<vmem>>, vector<16xf32>,
        %parallel_loop3A_184 = arith.mulf %parallel_loop3A_145, %parallel_loop3A_183 : vector<16xf32>
        %parallel_loop3A_185 = arith.addf %parallel_loop3A_134, %parallel_loop3A_184 : vector<16xf32>
        %parallel_loop3A_186 = arith.constant 320 : i32
        %parallel_loop3A_187 = arith.addi %parallel_loop3A_186, %parallel_loop3A_95 : i32
        %parallel_loop3A_188 = arith.index_cast %rem3A_55 : i32 to index
        %parallel_loop3A_189 = arith.index_cast %parallel_loop3A_187 : i32 to index
        %parallel_loop3A_190 = arith.constant 16 : index
        %parallel_loop3A_191 = tpu.vector_load %arg10[%parallel_loop3A_188, %parallel_loop3A_189, %parallel_loop3A_190] {strides = array<i32>} : memref<2x384x128xf32, #tpu.memory_space<vmem>>, vector<16xf32>,
        %parallel_loop3A_192 = arith.mulf %parallel_loop3A_145, %parallel_loop3A_191 : vector<16xf32>
        %parallel_loop3A_193 = arith.addf %parallel_loop3A_141, %parallel_loop3A_192 : vector<16xf32>
        %parallel_loop3A_194 = arith.index_cast %rem3A_55 : i32 to index
        %parallel_loop3A_195 = arith.index_cast %parallel_loop3A_95 : i32 to index
        %parallel_loop3A_196 = arith.constant 32 : index
        %parallel_loop3A_197 = tpu.vector_load %arg9[%parallel_loop3A_194, %parallel_loop3A_195, %parallel_loop3A_196] {strides = array<i32>} : memref<2x64x128xf32, #tpu.memory_space<vmem>>, vector<16xf32>,
        %parallel_loop3A_198 = arith.constant 0 : i32
        %parallel_loop3A_199 = arith.addi %parallel_loop3A_198, %parallel_loop3A_95 : i32
        %parallel_loop3A_200 = arith.index_cast %rem3A_55 : i32 to index
        %parallel_loop3A_201 = arith.index_cast %parallel_loop3A_199 : i32 to index
        %parallel_loop3A_202 = arith.constant 32 : index
        %parallel_loop3A_203 = tpu.vector_load %arg10[%parallel_loop3A_200, %parallel_loop3A_201, %parallel_loop3A_202] {strides = array<i32>} : memref<2x384x128xf32, #tpu.memory_space<vmem>>, vector<16xf32>,
        %parallel_loop3A_204 = arith.mulf %parallel_loop3A_197, %parallel_loop3A_203 : vector<16xf32>
        %parallel_loop3A_205 = arith.addf %parallel_loop3A_153, %parallel_loop3A_204 : vector<16xf32>
        %parallel_loop3A_206 = arith.constant 64 : i32
        %parallel_loop3A_207 = arith.addi %parallel_loop3A_206, %parallel_loop3A_95 : i32
        %parallel_loop3A_208 = arith.index_cast %rem3A_55 : i32 to index
        %parallel_loop3A_209 = arith.index_cast %parallel_loop3A_207 : i32 to index
        %parallel_loop3A_210 = arith.constant 32 : index
        %parallel_loop3A_211 = tpu.vector_load %arg10[%parallel_loop3A_208, %parallel_loop3A_209, %parallel_loop3A_210] {strides = array<i32>} : memref<2x384x128xf32, #tpu.memory_space<vmem>>, vector<16xf32>,
        %parallel_loop3A_212 = arith.mulf %parallel_loop3A_197, %parallel_loop3A_211 : vector<16xf32>
        %parallel_loop3A_213 = arith.addf %parallel_loop3A_161, %parallel_loop3A_212 : vector<16xf32>
        %parallel_loop3A_214 = arith.constant 128 : i32
        %parallel_loop3A_215 = arith.addi %parallel_loop3A_214, %parallel_loop3A_95 : i32
        %parallel_loop3A_216 = arith.index_cast %rem3A_55 : i32 to index
        %parallel_loop3A_217 = arith.index_cast %parallel_loop3A_215 : i32 to index
        %parallel_loop3A_218 = arith.constant 32 : index
        %parallel_loop3A_219 = tpu.vector_load %arg10[%parallel_loop3A_216, %parallel_loop3A_217, %parallel_loop3A_218] {strides = array<i32>} : memref<2x384x128xf32, #tpu.memory_space<vmem>>, vector<16xf32>,
        %parallel_loop3A_220 = arith.mulf %parallel_loop3A_197, %parallel_loop3A_219 : vector<16xf32>
        %parallel_loop3A_221 = arith.addf %parallel_loop3A_169, %parallel_loop3A_220 : vector<16xf32>
        %parallel_loop3A_222 = arith.constant 192 : i32
        %parallel_loop3A_223 = arith.addi %parallel_loop3A_222, %parallel_loop3A_95 : i32
        %parallel_loop3A_224 = arith.index_cast %rem3A_55 : i32 to index
        %parallel_loop3A_225 = arith.index_cast %parallel_loop3A_223 : i32 to index
        %parallel_loop3A_226 = arith.constant 32 : index
        %parallel_loop3A_227 = tpu.vector_load %arg10[%parallel_loop3A_224, %parallel_loop3A_225, %parallel_loop3A_226] {strides = array<i32>} : memref<2x384x128xf32, #tpu.memory_space<vmem>>, vector<16xf32>,
        %parallel_loop3A_228 = arith.mulf %parallel_loop3A_197, %parallel_loop3A_227 : vector<16xf32>
        %parallel_loop3A_229 = arith.addf %parallel_loop3A_177, %parallel_loop3A_228 : vector<16xf32>
        %parallel_loop3A_230 = arith.constant 256 : i32
        %parallel_loop3A_231 = arith.addi %parallel_loop3A_230, %parallel_loop3A_95 : i32
        %parallel_loop3A_232 = arith.index_cast %rem3A_55 : i32 to index
        %parallel_loop3A_233 = arith.index_cast %parallel_loop3A_231 : i32 to index
        %parallel_loop3A_234 = arith.constant 32 : index
        %parallel_loop3A_235 = tpu.vector_load %arg10[%parallel_loop3A_232, %parallel_loop3A_233, %parallel_loop3A_234] {strides = array<i32>} : memref<2x384x128xf32, #tpu.memory_space<vmem>>, vector<16xf32>,
        %parallel_loop3A_236 = arith.mulf %parallel_loop3A_197, %parallel_loop3A_235 : vector<16xf32>
        %parallel_loop3A_237 = arith.addf %parallel_loop3A_185, %parallel_loop3A_236 : vector<16xf32>
        %parallel_loop3A_238 = arith.constant 320 : i32
        %parallel_loop3A_239 = arith.addi %parallel_loop3A_238, %parallel_loop3A_95 : i32
        %parallel_loop3A_240 = arith.index_cast %rem3A_55 : i32 to index
        %parallel_loop3A_241 = arith.index_cast %parallel_loop3A_239 : i32 to index
        %parallel_loop3A_242 = arith.constant 32 : index
        %parallel_loop3A_243 = tpu.vector_load %arg10[%parallel_loop3A_240, %parallel_loop3A_241, %parallel_loop3A_242] {strides = array<i32>} : memref<2x384x128xf32, #tpu.memory_space<vmem>>, vector<16xf32>,
        %parallel_loop3A_244 = arith.mulf %parallel_loop3A_197, %parallel_loop3A_243 : vector<16xf32>
        %parallel_loop3A_245 = arith.addf %parallel_loop3A_193, %parallel_loop3A_244 : vector<16xf32>
        %parallel_loop3A_246 = arith.index_cast %rem3A_55 : i32 to index
        %parallel_loop3A_247 = arith.index_cast %parallel_loop3A_95 : i32 to index
        %parallel_loop3A_248 = arith.constant 48 : index
        %parallel_loop3A_249 = tpu.vector_load %arg9[%parallel_loop3A_246, %parallel_loop3A_247, %parallel_loop3A_248] {strides = array<i32>} : memref<2x64x128xf32, #tpu.memory_space<vmem>>, vector<16xf32>,
        %parallel_loop3A_250 = arith.constant 0 : i32
        %parallel_loop3A_251 = arith.addi %parallel_loop3A_250, %parallel_loop3A_95 : i32
        %parallel_loop3A_252 = arith.index_cast %rem3A_55 : i32 to index
        %parallel_loop3A_253 = arith.index_cast %parallel_loop3A_251 : i32 to index
        %parallel_loop3A_254 = arith.constant 48 : index
        %parallel_loop3A_255 = tpu.vector_load %arg10[%parallel_loop3A_252, %parallel_loop3A_253, %parallel_loop3A_254] {strides = array<i32>} : memref<2x384x128xf32, #tpu.memory_space<vmem>>, vector<16xf32>,
        %parallel_loop3A_256 = arith.mulf %parallel_loop3A_249, %parallel_loop3A_255 : vector<16xf32>
        %parallel_loop3A_257 = arith.addf %parallel_loop3A_205, %parallel_loop3A_256 : vector<16xf32>
        %parallel_loop3A_258 = arith.constant 64 : i32
        %parallel_loop3A_259 = arith.addi %parallel_loop3A_258, %parallel_loop3A_95 : i32
        %parallel_loop3A_260 = arith.index_cast %rem3A_55 : i32 to index
        %parallel_loop3A_261 = arith.index_cast %parallel_loop3A_259 : i32 to index
        %parallel_loop3A_262 = arith.constant 48 : index
        %parallel_loop3A_263 = tpu.vector_load %arg10[%parallel_loop3A_260, %parallel_loop3A_261, %parallel_loop3A_262] {strides = array<i32>} : memref<2x384x128xf32, #tpu.memory_space<vmem>>, vector<16xf32>,
        %parallel_loop3A_264 = arith.mulf %parallel_loop3A_249, %parallel_loop3A_263 : vector<16xf32>
        %parallel_loop3A_265 = arith.addf %parallel_loop3A_213, %parallel_loop3A_264 : vector<16xf32>
        %parallel_loop3A_266 = arith.constant 128 : i32
        %parallel_loop3A_267 = arith.addi %parallel_loop3A_266, %parallel_loop3A_95 : i32
        %parallel_loop3A_268 = arith.index_cast %rem3A_55 : i32 to index
        %parallel_loop3A_269 = arith.index_cast %parallel_loop3A_267 : i32 to index
        %parallel_loop3A_270 = arith.constant 48 : index
        %parallel_loop3A_271 = tpu.vector_load %arg10[%parallel_loop3A_268, %parallel_loop3A_269, %parallel_loop3A_270] {strides = array<i32>} : memref<2x384x128xf32, #tpu.memory_space<vmem>>, vector<16xf32>,
        %parallel_loop3A_272 = arith.mulf %parallel_loop3A_249, %parallel_loop3A_271 : vector<16xf32>
        %parallel_loop3A_273 = arith.addf %parallel_loop3A_221, %parallel_loop3A_272 : vector<16xf32>
        %parallel_loop3A_274 = arith.constant 192 : i32
        %parallel_loop3A_275 = arith.addi %parallel_loop3A_274, %parallel_loop3A_95 : i32
        %parallel_loop3A_276 = arith.index_cast %rem3A_55 : i32 to index
        %parallel_loop3A_277 = arith.index_cast %parallel_loop3A_275 : i32 to index
        %parallel_loop3A_278 = arith.constant 48 : index
        %parallel_loop3A_279 = tpu.vector_load %arg10[%parallel_loop3A_276, %parallel_loop3A_277, %parallel_loop3A_278] {strides = array<i32>} : memref<2x384x128xf32, #tpu.memory_space<vmem>>, vector<16xf32>,
        %parallel_loop3A_280 = arith.mulf %parallel_loop3A_249, %parallel_loop3A_279 : vector<16xf32>
        %parallel_loop3A_281 = arith.addf %parallel_loop3A_229, %parallel_loop3A_280 : vector<16xf32>
        %parallel_loop3A_282 = arith.constant 256 : i32
        %parallel_loop3A_283 = arith.addi %parallel_loop3A_282, %parallel_loop3A_95 : i32
        %parallel_loop3A_284 = arith.index_cast %rem3A_55 : i32 to index
        %parallel_loop3A_285 = arith.index_cast %parallel_loop3A_283 : i32 to index
        %parallel_loop3A_286 = arith.constant 48 : index
        %parallel_loop3A_287 = tpu.vector_load %arg10[%parallel_loop3A_284, %parallel_loop3A_285, %parallel_loop3A_286] {strides = array<i32>} : memref<2x384x128xf32, #tpu.memory_space<vmem>>, vector<16xf32>,
        %parallel_loop3A_288 = arith.mulf %parallel_loop3A_249, %parallel_loop3A_287 : vector<16xf32>
        %parallel_loop3A_289 = arith.addf %parallel_loop3A_237, %parallel_loop3A_288 : vector<16xf32>
        %parallel_loop3A_290 = arith.constant 320 : i32
        %parallel_loop3A_291 = arith.addi %parallel_loop3A_290, %parallel_loop3A_95 : i32
        %parallel_loop3A_292 = arith.index_cast %rem3A_55 : i32 to index
        %parallel_loop3A_293 = arith.index_cast %parallel_loop3A_291 : i32 to index
        %parallel_loop3A_294 = arith.constant 48 : index
        %parallel_loop3A_295 = tpu.vector_load %arg10[%parallel_loop3A_292, %parallel_loop3A_293, %parallel_loop3A_294] {strides = array<i32>} : memref<2x384x128xf32, #tpu.memory_space<vmem>>, vector<16xf32>,
        %parallel_loop3A_296 = arith.mulf %parallel_loop3A_249, %parallel_loop3A_295 : vector<16xf32>
        %parallel_loop3A_297 = arith.addf %parallel_loop3A_245, %parallel_loop3A_296 : vector<16xf32>
        %parallel_loop3A_298 = arith.index_cast %rem3A_55 : i32 to index
        %parallel_loop3A_299 = arith.index_cast %parallel_loop3A_95 : i32 to index
        %parallel_loop3A_300 = arith.constant 64 : index
        %parallel_loop3A_301 = tpu.vector_load %arg9[%parallel_loop3A_298, %parallel_loop3A_299, %parallel_loop3A_300] {strides = array<i32>} : memref<2x64x128xf32, #tpu.memory_space<vmem>>, vector<16xf32>,
        %parallel_loop3A_302 = arith.constant 0 : i32
        %parallel_loop3A_303 = arith.addi %parallel_loop3A_302, %parallel_loop3A_95 : i32
        %parallel_loop3A_304 = arith.index_cast %rem3A_55 : i32 to index
        %parallel_loop3A_305 = arith.index_cast %parallel_loop3A_303 : i32 to index
        %parallel_loop3A_306 = arith.constant 64 : index
        %parallel_loop3A_307 = tpu.vector_load %arg10[%parallel_loop3A_304, %parallel_loop3A_305, %parallel_loop3A_306] {strides = array<i32>} : memref<2x384x128xf32, #tpu.memory_space<vmem>>, vector<16xf32>,
        %parallel_loop3A_308 = arith.mulf %parallel_loop3A_301, %parallel_loop3A_307 : vector<16xf32>
        %parallel_loop3A_309 = arith.addf %parallel_loop3A_257, %parallel_loop3A_308 : vector<16xf32>
        %parallel_loop3A_310 = arith.constant 64 : i32
        %parallel_loop3A_311 = arith.addi %parallel_loop3A_310, %parallel_loop3A_95 : i32
        %parallel_loop3A_312 = arith.index_cast %rem3A_55 : i32 to index
        %parallel_loop3A_313 = arith.index_cast %parallel_loop3A_311 : i32 to index
        %parallel_loop3A_314 = arith.constant 64 : index
        %parallel_loop3A_315 = tpu.vector_load %arg10[%parallel_loop3A_312, %parallel_loop3A_313, %parallel_loop3A_314] {strides = array<i32>} : memref<2x384x128xf32, #tpu.memory_space<vmem>>, vector<16xf32>,
        %parallel_loop3A_316 = arith.mulf %parallel_loop3A_301, %parallel_loop3A_315 : vector<16xf32>
        %parallel_loop3A_317 = arith.addf %parallel_loop3A_265, %parallel_loop3A_316 : vector<16xf32>
        %parallel_loop3A_318 = arith.constant 128 : i32
        %parallel_loop3A_319 = arith.addi %parallel_loop3A_318, %parallel_loop3A_95 : i32
        %parallel_loop3A_320 = arith.index_cast %rem3A_55 : i32 to index
        %parallel_loop3A_321 = arith.index_cast %parallel_loop3A_319 : i32 to index
        %parallel_loop3A_322 = arith.constant 64 : index
        %parallel_loop3A_323 = tpu.vector_load %arg10[%parallel_loop3A_320, %parallel_loop3A_321, %parallel_loop3A_322] {strides = array<i32>} : memref<2x384x128xf32, #tpu.memory_space<vmem>>, vector<16xf32>,
        %parallel_loop3A_324 = arith.mulf %parallel_loop3A_301, %parallel_loop3A_323 : vector<16xf32>
        %parallel_loop3A_325 = arith.addf %parallel_loop3A_273, %parallel_loop3A_324 : vector<16xf32>
        %parallel_loop3A_326 = arith.constant 192 : i32
        %parallel_loop3A_327 = arith.addi %parallel_loop3A_326, %parallel_loop3A_95 : i32
        %parallel_loop3A_328 = arith.index_cast %rem3A_55 : i32 to index
        %parallel_loop3A_329 = arith.index_cast %parallel_loop3A_327 : i32 to index
        %parallel_loop3A_330 = arith.constant 64 : index
        %parallel_loop3A_331 = tpu.vector_load %arg10[%parallel_loop3A_328, %parallel_loop3A_329, %parallel_loop3A_330] {strides = array<i32>} : memref<2x384x128xf32, #tpu.memory_space<vmem>>, vector<16xf32>,
        %parallel_loop3A_332 = arith.mulf %parallel_loop3A_301, %parallel_loop3A_331 : vector<16xf32>
        %parallel_loop3A_333 = arith.addf %parallel_loop3A_281, %parallel_loop3A_332 : vector<16xf32>
        %parallel_loop3A_334 = arith.constant 256 : i32
        %parallel_loop3A_335 = arith.addi %parallel_loop3A_334, %parallel_loop3A_95 : i32
        %parallel_loop3A_336 = arith.index_cast %rem3A_55 : i32 to index
        %parallel_loop3A_337 = arith.index_cast %parallel_loop3A_335 : i32 to index
        %parallel_loop3A_338 = arith.constant 64 : index
        %parallel_loop3A_339 = tpu.vector_load %arg10[%parallel_loop3A_336, %parallel_loop3A_337, %parallel_loop3A_338] {strides = array<i32>} : memref<2x384x128xf32, #tpu.memory_space<vmem>>, vector<16xf32>,
        %parallel_loop3A_340 = arith.mulf %parallel_loop3A_301, %parallel_loop3A_339 : vector<16xf32>
        %parallel_loop3A_341 = arith.addf %parallel_loop3A_289, %parallel_loop3A_340 : vector<16xf32>
        %parallel_loop3A_342 = arith.constant 320 : i32
        %parallel_loop3A_343 = arith.addi %parallel_loop3A_342, %parallel_loop3A_95 : i32
        %parallel_loop3A_344 = arith.index_cast %rem3A_55 : i32 to index
        %parallel_loop3A_345 = arith.index_cast %parallel_loop3A_343 : i32 to index
        %parallel_loop3A_346 = arith.constant 64 : index
        %parallel_loop3A_347 = tpu.vector_load %arg10[%parallel_loop3A_344, %parallel_loop3A_345, %parallel_loop3A_346] {strides = array<i32>} : memref<2x384x128xf32, #tpu.memory_space<vmem>>, vector<16xf32>,
        %parallel_loop3A_348 = arith.mulf %parallel_loop3A_301, %parallel_loop3A_347 : vector<16xf32>
        %parallel_loop3A_349 = arith.addf %parallel_loop3A_297, %parallel_loop3A_348 : vector<16xf32>
        %parallel_loop3A_350 = arith.index_cast %rem3A_55 : i32 to index
        %parallel_loop3A_351 = arith.index_cast %parallel_loop3A_95 : i32 to index
        %parallel_loop3A_352 = arith.constant 80 : index
        %parallel_loop3A_353 = tpu.vector_load %arg9[%parallel_loop3A_350, %parallel_loop3A_351, %parallel_loop3A_352] {strides = array<i32>} : memref<2x64x128xf32, #tpu.memory_space<vmem>>, vector<16xf32>,
        %parallel_loop3A_354 = arith.constant 0 : i32
        %parallel_loop3A_355 = arith.addi %parallel_loop3A_354, %parallel_loop3A_95 : i32
        %parallel_loop3A_356 = arith.index_cast %rem3A_55 : i32 to index
        %parallel_loop3A_357 = arith.index_cast %parallel_loop3A_355 : i32 to index
        %parallel_loop3A_358 = arith.constant 80 : index
        %parallel_loop3A_359 = tpu.vector_load %arg10[%parallel_loop3A_356, %parallel_loop3A_357, %parallel_loop3A_358] {strides = array<i32>} : memref<2x384x128xf32, #tpu.memory_space<vmem>>, vector<16xf32>,
        %parallel_loop3A_360 = arith.mulf %parallel_loop3A_353, %parallel_loop3A_359 : vector<16xf32>
        %parallel_loop3A_361 = arith.addf %parallel_loop3A_309, %parallel_loop3A_360 : vector<16xf32>
        %parallel_loop3A_362 = arith.constant 64 : i32
        %parallel_loop3A_363 = arith.addi %parallel_loop3A_362, %parallel_loop3A_95 : i32
        %parallel_loop3A_364 = arith.index_cast %rem3A_55 : i32 to index
        %parallel_loop3A_365 = arith.index_cast %parallel_loop3A_363 : i32 to index
        %parallel_loop3A_366 = arith.constant 80 : index
        %parallel_loop3A_367 = tpu.vector_load %arg10[%parallel_loop3A_364, %parallel_loop3A_365, %parallel_loop3A_366] {strides = array<i32>} : memref<2x384x128xf32, #tpu.memory_space<vmem>>, vector<16xf32>,
        %parallel_loop3A_368 = arith.mulf %parallel_loop3A_353, %parallel_loop3A_367 : vector<16xf32>
        %parallel_loop3A_369 = arith.addf %parallel_loop3A_317, %parallel_loop3A_368 : vector<16xf32>
        %parallel_loop3A_370 = arith.constant 128 : i32
        %parallel_loop3A_371 = arith.addi %parallel_loop3A_370, %parallel_loop3A_95 : i32
        %parallel_loop3A_372 = arith.index_cast %rem3A_55 : i32 to index
        %parallel_loop3A_373 = arith.index_cast %parallel_loop3A_371 : i32 to index
        %parallel_loop3A_374 = arith.constant 80 : index
        %parallel_loop3A_375 = tpu.vector_load %arg10[%parallel_loop3A_372, %parallel_loop3A_373, %parallel_loop3A_374] {strides = array<i32>} : memref<2x384x128xf32, #tpu.memory_space<vmem>>, vector<16xf32>,
        %parallel_loop3A_376 = arith.mulf %parallel_loop3A_353, %parallel_loop3A_375 : vector<16xf32>
        %parallel_loop3A_377 = arith.addf %parallel_loop3A_325, %parallel_loop3A_376 : vector<16xf32>
        %parallel_loop3A_378 = arith.constant 192 : i32
        %parallel_loop3A_379 = arith.addi %parallel_loop3A_378, %parallel_loop3A_95 : i32
        %parallel_loop3A_380 = arith.index_cast %rem3A_55 : i32 to index
        %parallel_loop3A_381 = arith.index_cast %parallel_loop3A_379 : i32 to index
        %parallel_loop3A_382 = arith.constant 80 : index
        %parallel_loop3A_383 = tpu.vector_load %arg10[%parallel_loop3A_380, %parallel_loop3A_381, %parallel_loop3A_382] {strides = array<i32>} : memref<2x384x128xf32, #tpu.memory_space<vmem>>, vector<16xf32>,
        %parallel_loop3A_384 = arith.mulf %parallel_loop3A_353, %parallel_loop3A_383 : vector<16xf32>
        %parallel_loop3A_385 = arith.addf %parallel_loop3A_333, %parallel_loop3A_384 : vector<16xf32>
        %parallel_loop3A_386 = arith.constant 256 : i32
        %parallel_loop3A_387 = arith.addi %parallel_loop3A_386, %parallel_loop3A_95 : i32
        %parallel_loop3A_388 = arith.index_cast %rem3A_55 : i32 to index
        %parallel_loop3A_389 = arith.index_cast %parallel_loop3A_387 : i32 to index
        %parallel_loop3A_390 = arith.constant 80 : index
        %parallel_loop3A_391 = tpu.vector_load %arg10[%parallel_loop3A_388, %parallel_loop3A_389, %parallel_loop3A_390] {strides = array<i32>} : memref<2x384x128xf32, #tpu.memory_space<vmem>>, vector<16xf32>,
        %parallel_loop3A_392 = arith.mulf %parallel_loop3A_353, %parallel_loop3A_391 : vector<16xf32>
        %parallel_loop3A_393 = arith.addf %parallel_loop3A_341, %parallel_loop3A_392 : vector<16xf32>
        %parallel_loop3A_394 = arith.constant 320 : i32
        %parallel_loop3A_395 = arith.addi %parallel_loop3A_394, %parallel_loop3A_95 : i32
        %parallel_loop3A_396 = arith.index_cast %rem3A_55 : i32 to index
        %parallel_loop3A_397 = arith.index_cast %parallel_loop3A_395 : i32 to index
        %parallel_loop3A_398 = arith.constant 80 : index
        %parallel_loop3A_399 = tpu.vector_load %arg10[%parallel_loop3A_396, %parallel_loop3A_397, %parallel_loop3A_398] {strides = array<i32>} : memref<2x384x128xf32, #tpu.memory_space<vmem>>, vector<16xf32>,
        %parallel_loop3A_400 = arith.mulf %parallel_loop3A_353, %parallel_loop3A_399 : vector<16xf32>
        %parallel_loop3A_401 = arith.addf %parallel_loop3A_349, %parallel_loop3A_400 : vector<16xf32>
        %parallel_loop3A_402 = arith.index_cast %rem3A_55 : i32 to index
        %parallel_loop3A_403 = arith.index_cast %parallel_loop3A_95 : i32 to index
        %parallel_loop3A_404 = arith.constant 96 : index
        %parallel_loop3A_405 = tpu.vector_load %arg9[%parallel_loop3A_402, %parallel_loop3A_403, %parallel_loop3A_404] {strides = array<i32>} : memref<2x64x128xf32, #tpu.memory_space<vmem>>, vector<16xf32>,
        %parallel_loop3A_406 = arith.constant 0 : i32
        %parallel_loop3A_407 = arith.addi %parallel_loop3A_406, %parallel_loop3A_95 : i32
        %parallel_loop3A_408 = arith.index_cast %rem3A_55 : i32 to index
        %parallel_loop3A_409 = arith.index_cast %parallel_loop3A_407 : i32 to index
        %parallel_loop3A_410 = arith.constant 96 : index
        %parallel_loop3A_411 = tpu.vector_load %arg10[%parallel_loop3A_408, %parallel_loop3A_409, %parallel_loop3A_410] {strides = array<i32>} : memref<2x384x128xf32, #tpu.memory_space<vmem>>, vector<16xf32>,
        %parallel_loop3A_412 = arith.mulf %parallel_loop3A_405, %parallel_loop3A_411 : vector<16xf32>
        %parallel_loop3A_413 = arith.addf %parallel_loop3A_361, %parallel_loop3A_412 : vector<16xf32>
        %parallel_loop3A_414 = arith.constant 64 : i32
        %parallel_loop3A_415 = arith.addi %parallel_loop3A_414, %parallel_loop3A_95 : i32
        %parallel_loop3A_416 = arith.index_cast %rem3A_55 : i32 to index
        %parallel_loop3A_417 = arith.index_cast %parallel_loop3A_415 : i32 to index
        %parallel_loop3A_418 = arith.constant 96 : index
        %parallel_loop3A_419 = tpu.vector_load %arg10[%parallel_loop3A_416, %parallel_loop3A_417, %parallel_loop3A_418] {strides = array<i32>} : memref<2x384x128xf32, #tpu.memory_space<vmem>>, vector<16xf32>,
        %parallel_loop3A_420 = arith.mulf %parallel_loop3A_405, %parallel_loop3A_419 : vector<16xf32>
        %parallel_loop3A_421 = arith.addf %parallel_loop3A_369, %parallel_loop3A_420 : vector<16xf32>
        %parallel_loop3A_422 = arith.constant 128 : i32
        %parallel_loop3A_423 = arith.addi %parallel_loop3A_422, %parallel_loop3A_95 : i32
        %parallel_loop3A_424 = arith.index_cast %rem3A_55 : i32 to index
        %parallel_loop3A_425 = arith.index_cast %parallel_loop3A_423 : i32 to index
        %parallel_loop3A_426 = arith.constant 96 : index
        %parallel_loop3A_427 = tpu.vector_load %arg10[%parallel_loop3A_424, %parallel_loop3A_425, %parallel_loop3A_426] {strides = array<i32>} : memref<2x384x128xf32, #tpu.memory_space<vmem>>, vector<16xf32>,
        %parallel_loop3A_428 = arith.mulf %parallel_loop3A_405, %parallel_loop3A_427 : vector<16xf32>
        %parallel_loop3A_429 = arith.addf %parallel_loop3A_377, %parallel_loop3A_428 : vector<16xf32>
        %parallel_loop3A_430 = arith.constant 192 : i32
        %parallel_loop3A_431 = arith.addi %parallel_loop3A_430, %parallel_loop3A_95 : i32
        %parallel_loop3A_432 = arith.index_cast %rem3A_55 : i32 to index
        %parallel_loop3A_433 = arith.index_cast %parallel_loop3A_431 : i32 to index
        %parallel_loop3A_434 = arith.constant 96 : index
        %parallel_loop3A_435 = tpu.vector_load %arg10[%parallel_loop3A_432, %parallel_loop3A_433, %parallel_loop3A_434] {strides = array<i32>} : memref<2x384x128xf32, #tpu.memory_space<vmem>>, vector<16xf32>,
        %parallel_loop3A_436 = arith.mulf %parallel_loop3A_405, %parallel_loop3A_435 : vector<16xf32>
        %parallel_loop3A_437 = arith.addf %parallel_loop3A_385, %parallel_loop3A_436 : vector<16xf32>
        %parallel_loop3A_438 = arith.constant 256 : i32
        %parallel_loop3A_439 = arith.addi %parallel_loop3A_438, %parallel_loop3A_95 : i32
        %parallel_loop3A_440 = arith.index_cast %rem3A_55 : i32 to index
        %parallel_loop3A_441 = arith.index_cast %parallel_loop3A_439 : i32 to index
        %parallel_loop3A_442 = arith.constant 96 : index
        %parallel_loop3A_443 = tpu.vector_load %arg10[%parallel_loop3A_440, %parallel_loop3A_441, %parallel_loop3A_442] {strides = array<i32>} : memref<2x384x128xf32, #tpu.memory_space<vmem>>, vector<16xf32>,
        %parallel_loop3A_444 = arith.mulf %parallel_loop3A_405, %parallel_loop3A_443 : vector<16xf32>
        %parallel_loop3A_445 = arith.addf %parallel_loop3A_393, %parallel_loop3A_444 : vector<16xf32>
        %parallel_loop3A_446 = arith.constant 320 : i32
        %parallel_loop3A_447 = arith.addi %parallel_loop3A_446, %parallel_loop3A_95 : i32
        %parallel_loop3A_448 = arith.index_cast %rem3A_55 : i32 to index
        %parallel_loop3A_449 = arith.index_cast %parallel_loop3A_447 : i32 to index
        %parallel_loop3A_450 = arith.constant 96 : index
        %parallel_loop3A_451 = tpu.vector_load %arg10[%parallel_loop3A_448, %parallel_loop3A_449, %parallel_loop3A_450] {strides = array<i32>} : memref<2x384x128xf32, #tpu.memory_space<vmem>>, vector<16xf32>,
        %parallel_loop3A_452 = arith.mulf %parallel_loop3A_405, %parallel_loop3A_451 : vector<16xf32>
        %parallel_loop3A_453 = arith.addf %parallel_loop3A_401, %parallel_loop3A_452 : vector<16xf32>
        %parallel_loop3A_454 = arith.index_cast %rem3A_55 : i32 to index
        %parallel_loop3A_455 = arith.index_cast %parallel_loop3A_95 : i32 to index
        %parallel_loop3A_456 = arith.constant 112 : index
        %parallel_loop3A_457 = tpu.vector_load %arg9[%parallel_loop3A_454, %parallel_loop3A_455, %parallel_loop3A_456] {strides = array<i32>} : memref<2x64x128xf32, #tpu.memory_space<vmem>>, vector<16xf32>,
        %parallel_loop3A_458 = arith.constant 0 : i32
        %parallel_loop3A_459 = arith.addi %parallel_loop3A_458, %parallel_loop3A_95 : i32
        %parallel_loop3A_460 = arith.index_cast %rem3A_55 : i32 to index
        %parallel_loop3A_461 = arith.index_cast %parallel_loop3A_459 : i32 to index
        %parallel_loop3A_462 = arith.constant 112 : index
        %parallel_loop3A_463 = tpu.vector_load %arg10[%parallel_loop3A_460, %parallel_loop3A_461, %parallel_loop3A_462] {strides = array<i32>} : memref<2x384x128xf32, #tpu.memory_space<vmem>>, vector<16xf32>,
        %parallel_loop3A_464 = arith.mulf %parallel_loop3A_457, %parallel_loop3A_463 : vector<16xf32>
        %parallel_loop3A_465 = arith.addf %parallel_loop3A_413, %parallel_loop3A_464 : vector<16xf32>
        %parallel_loop3A_466 = arith.constant 64 : i32
        %parallel_loop3A_467 = arith.addi %parallel_loop3A_466, %parallel_loop3A_95 : i32
        %parallel_loop3A_468 = arith.index_cast %rem3A_55 : i32 to index
        %parallel_loop3A_469 = arith.index_cast %parallel_loop3A_467 : i32 to index
        %parallel_loop3A_470 = arith.constant 112 : index
        %parallel_loop3A_471 = tpu.vector_load %arg10[%parallel_loop3A_468, %parallel_loop3A_469, %parallel_loop3A_470] {strides = array<i32>} : memref<2x384x128xf32, #tpu.memory_space<vmem>>, vector<16xf32>,
        %parallel_loop3A_472 = arith.mulf %parallel_loop3A_457, %parallel_loop3A_471 : vector<16xf32>
        %parallel_loop3A_473 = arith.addf %parallel_loop3A_421, %parallel_loop3A_472 : vector<16xf32>
        %parallel_loop3A_474 = arith.constant 128 : i32
        %parallel_loop3A_475 = arith.addi %parallel_loop3A_474, %parallel_loop3A_95 : i32
        %parallel_loop3A_476 = arith.index_cast %rem3A_55 : i32 to index
        %parallel_loop3A_477 = arith.index_cast %parallel_loop3A_475 : i32 to index
        %parallel_loop3A_478 = arith.constant 112 : index
        %parallel_loop3A_479 = tpu.vector_load %arg10[%parallel_loop3A_476, %parallel_loop3A_477, %parallel_loop3A_478] {strides = array<i32>} : memref<2x384x128xf32, #tpu.memory_space<vmem>>, vector<16xf32>,
        %parallel_loop3A_480 = arith.mulf %parallel_loop3A_457, %parallel_loop3A_479 : vector<16xf32>
        %parallel_loop3A_481 = arith.addf %parallel_loop3A_429, %parallel_loop3A_480 : vector<16xf32>
        %parallel_loop3A_482 = arith.constant 192 : i32
        %parallel_loop3A_483 = arith.addi %parallel_loop3A_482, %parallel_loop3A_95 : i32
        %parallel_loop3A_484 = arith.index_cast %rem3A_55 : i32 to index
        %parallel_loop3A_485 = arith.index_cast %parallel_loop3A_483 : i32 to index
        %parallel_loop3A_486 = arith.constant 112 : index
        %parallel_loop3A_487 = tpu.vector_load %arg10[%parallel_loop3A_484, %parallel_loop3A_485, %parallel_loop3A_486] {strides = array<i32>} : memref<2x384x128xf32, #tpu.memory_space<vmem>>, vector<16xf32>,
        %parallel_loop3A_488 = arith.mulf %parallel_loop3A_457, %parallel_loop3A_487 : vector<16xf32>
        %parallel_loop3A_489 = arith.addf %parallel_loop3A_437, %parallel_loop3A_488 : vector<16xf32>
        %parallel_loop3A_490 = arith.constant 256 : i32
        %parallel_loop3A_491 = arith.addi %parallel_loop3A_490, %parallel_loop3A_95 : i32
        %parallel_loop3A_492 = arith.index_cast %rem3A_55 : i32 to index
        %parallel_loop3A_493 = arith.index_cast %parallel_loop3A_491 : i32 to index
        %parallel_loop3A_494 = arith.constant 112 : index
        %parallel_loop3A_495 = tpu.vector_load %arg10[%parallel_loop3A_492, %parallel_loop3A_493, %parallel_loop3A_494] {strides = array<i32>} : memref<2x384x128xf32, #tpu.memory_space<vmem>>, vector<16xf32>,
        %parallel_loop3A_496 = arith.mulf %parallel_loop3A_457, %parallel_loop3A_495 : vector<16xf32>
        %parallel_loop3A_497 = arith.addf %parallel_loop3A_445, %parallel_loop3A_496 : vector<16xf32>
        %parallel_loop3A_498 = arith.constant 320 : i32
        %parallel_loop3A_499 = arith.addi %parallel_loop3A_498, %parallel_loop3A_95 : i32
        %parallel_loop3A_500 = arith.index_cast %rem3A_55 : i32 to index
        %parallel_loop3A_501 = arith.index_cast %parallel_loop3A_499 : i32 to index
        %parallel_loop3A_502 = arith.constant 112 : index
        %parallel_loop3A_503 = tpu.vector_load %arg10[%parallel_loop3A_500, %parallel_loop3A_501, %parallel_loop3A_502] {strides = array<i32>} : memref<2x384x128xf32, #tpu.memory_space<vmem>>, vector<16xf32>,
        %parallel_loop3A_504 = arith.mulf %parallel_loop3A_457, %parallel_loop3A_503 : vector<16xf32>
        %parallel_loop3A_505 = arith.addf %parallel_loop3A_453, %parallel_loop3A_504 : vector<16xf32>
        %parallel_loop3A_506 = arith.constant 0.000000e+00 : f32
        %parallel_loop3A_507 = vector.broadcast %parallel_loop3A_506 : f32 to vector<16xf32>
        %parallel_loop3A_508 = vector.shape_cast %xor3A_4 : vector<16xi32> to vector<16x1xi32>
        %parallel_loop3A_509 = vector.shape_cast %parallel_loop3A_508 : vector<16x1xi32> to vector<16xi32>
        %parallel_loop3A_510 = tpu.dynamic_gather %parallel_loop3A_465[%parallel_loop3A_509] in [0] : vector<16xf32>, vector<16xi32> -> vector<16xf32>
        %parallel_loop3A_511 = arith.addf %parallel_loop3A_465, %parallel_loop3A_510 : vector<16xf32>
        %parallel_loop3A_512 = vector.shape_cast %xor3A_7 : vector<16xi32> to vector<16x1xi32>
        %parallel_loop3A_513 = vector.shape_cast %parallel_loop3A_512 : vector<16x1xi32> to vector<16xi32>
        %parallel_loop3A_514 = tpu.dynamic_gather %parallel_loop3A_511[%parallel_loop3A_513] in [0] : vector<16xf32>, vector<16xi32> -> vector<16xf32>
        %parallel_loop3A_515 = arith.addf %parallel_loop3A_511, %parallel_loop3A_514 : vector<16xf32>
        %parallel_loop3A_516 = vector.shape_cast %xor3A_10 : vector<16xi32> to vector<16x1xi32>
        %parallel_loop3A_517 = vector.shape_cast %parallel_loop3A_516 : vector<16x1xi32> to vector<16xi32>
        %parallel_loop3A_518 = tpu.dynamic_gather %parallel_loop3A_515[%parallel_loop3A_517] in [0] : vector<16xf32>, vector<16xi32> -> vector<16xf32>
        %parallel_loop3A_519 = arith.addf %parallel_loop3A_515, %parallel_loop3A_518 : vector<16xf32>
        %parallel_loop3A_520 = vector.shape_cast %xor3A_13 : vector<16xi32> to vector<16x1xi32>
        %parallel_loop3A_521 = vector.shape_cast %parallel_loop3A_520 : vector<16x1xi32> to vector<16xi32>
        %parallel_loop3A_522 = tpu.dynamic_gather %parallel_loop3A_519[%parallel_loop3A_521] in [0] : vector<16xf32>, vector<16xi32> -> vector<16xf32>
        %parallel_loop3A_523 = arith.addf %parallel_loop3A_519, %parallel_loop3A_522 : vector<16xf32>
        %parallel_loop3A_524 = arith.constant 0 : i32
        %parallel_loop3A_525 = vector.broadcast %parallel_loop3A_524 : i32 to vector<16xi32>
        %parallel_loop3A_526 = arith.cmpi eq, %iota3A, %parallel_loop3A_525 : vector<16xi32>
        %parallel_loop3A_527 = arith.select %parallel_loop3A_526, %parallel_loop3A_523, %parallel_loop3A_507 : vector<16xi1>, vector<16xf32>
        %parallel_loop3A_528 = vector.shape_cast %xor3A_4 : vector<16xi32> to vector<16x1xi32>
        %parallel_loop3A_529 = vector.shape_cast %parallel_loop3A_528 : vector<16x1xi32> to vector<16xi32>
        %parallel_loop3A_530 = tpu.dynamic_gather %parallel_loop3A_473[%parallel_loop3A_529] in [0] : vector<16xf32>, vector<16xi32> -> vector<16xf32>
        %parallel_loop3A_531 = arith.addf %parallel_loop3A_473, %parallel_loop3A_530 : vector<16xf32>
        %parallel_loop3A_532 = vector.shape_cast %xor3A_7 : vector<16xi32> to vector<16x1xi32>
        %parallel_loop3A_533 = vector.shape_cast %parallel_loop3A_532 : vector<16x1xi32> to vector<16xi32>
        %parallel_loop3A_534 = tpu.dynamic_gather %parallel_loop3A_531[%parallel_loop3A_533] in [0] : vector<16xf32>, vector<16xi32> -> vector<16xf32>
        %parallel_loop3A_535 = arith.addf %parallel_loop3A_531, %parallel_loop3A_534 : vector<16xf32>
        %parallel_loop3A_536 = vector.shape_cast %xor3A_10 : vector<16xi32> to vector<16x1xi32>
        %parallel_loop3A_537 = vector.shape_cast %parallel_loop3A_536 : vector<16x1xi32> to vector<16xi32>
        %parallel_loop3A_538 = tpu.dynamic_gather %parallel_loop3A_535[%parallel_loop3A_537] in [0] : vector<16xf32>, vector<16xi32> -> vector<16xf32>
        %parallel_loop3A_539 = arith.addf %parallel_loop3A_535, %parallel_loop3A_538 : vector<16xf32>
        %parallel_loop3A_540 = vector.shape_cast %xor3A_13 : vector<16xi32> to vector<16x1xi32>
        %parallel_loop3A_541 = vector.shape_cast %parallel_loop3A_540 : vector<16x1xi32> to vector<16xi32>
        %parallel_loop3A_542 = tpu.dynamic_gather %parallel_loop3A_539[%parallel_loop3A_541] in [0] : vector<16xf32>, vector<16xi32> -> vector<16xf32>
        %parallel_loop3A_543 = arith.addf %parallel_loop3A_539, %parallel_loop3A_542 : vector<16xf32>
        %parallel_loop3A_544 = arith.constant 1 : i32
        %parallel_loop3A_545 = vector.broadcast %parallel_loop3A_544 : i32 to vector<16xi32>
        %parallel_loop3A_546 = arith.cmpi eq, %iota3A, %parallel_loop3A_545 : vector<16xi32>
        %parallel_loop3A_547 = arith.select %parallel_loop3A_546, %parallel_loop3A_543, %parallel_loop3A_527 : vector<16xi1>, vector<16xf32>
        %parallel_loop3A_548 = vector.shape_cast %xor3A_4 : vector<16xi32> to vector<16x1xi32>
        %parallel_loop3A_549 = vector.shape_cast %parallel_loop3A_548 : vector<16x1xi32> to vector<16xi32>
        %parallel_loop3A_550 = tpu.dynamic_gather %parallel_loop3A_481[%parallel_loop3A_549] in [0] : vector<16xf32>, vector<16xi32> -> vector<16xf32>
        %parallel_loop3A_551 = arith.addf %parallel_loop3A_481, %parallel_loop3A_550 : vector<16xf32>
        %parallel_loop3A_552 = vector.shape_cast %xor3A_7 : vector<16xi32> to vector<16x1xi32>
        %parallel_loop3A_553 = vector.shape_cast %parallel_loop3A_552 : vector<16x1xi32> to vector<16xi32>
        %parallel_loop3A_554 = tpu.dynamic_gather %parallel_loop3A_551[%parallel_loop3A_553] in [0] : vector<16xf32>, vector<16xi32> -> vector<16xf32>
        %parallel_loop3A_555 = arith.addf %parallel_loop3A_551, %parallel_loop3A_554 : vector<16xf32>
        %parallel_loop3A_556 = vector.shape_cast %xor3A_10 : vector<16xi32> to vector<16x1xi32>
        %parallel_loop3A_557 = vector.shape_cast %parallel_loop3A_556 : vector<16x1xi32> to vector<16xi32>
        %parallel_loop3A_558 = tpu.dynamic_gather %parallel_loop3A_555[%parallel_loop3A_557] in [0] : vector<16xf32>, vector<16xi32> -> vector<16xf32>
        %parallel_loop3A_559 = arith.addf %parallel_loop3A_555, %parallel_loop3A_558 : vector<16xf32>
        %parallel_loop3A_560 = vector.shape_cast %xor3A_13 : vector<16xi32> to vector<16x1xi32>
        %parallel_loop3A_561 = vector.shape_cast %parallel_loop3A_560 : vector<16x1xi32> to vector<16xi32>
        %parallel_loop3A_562 = tpu.dynamic_gather %parallel_loop3A_559[%parallel_loop3A_561] in [0] : vector<16xf32>, vector<16xi32> -> vector<16xf32>
        %parallel_loop3A_563 = arith.addf %parallel_loop3A_559, %parallel_loop3A_562 : vector<16xf32>
        %parallel_loop3A_564 = arith.constant 2 : i32
        %parallel_loop3A_565 = vector.broadcast %parallel_loop3A_564 : i32 to vector<16xi32>
        %parallel_loop3A_566 = arith.cmpi eq, %iota3A, %parallel_loop3A_565 : vector<16xi32>
        %parallel_loop3A_567 = arith.select %parallel_loop3A_566, %parallel_loop3A_563, %parallel_loop3A_547 : vector<16xi1>, vector<16xf32>
        %parallel_loop3A_568 = vector.shape_cast %xor3A_4 : vector<16xi32> to vector<16x1xi32>
        %parallel_loop3A_569 = vector.shape_cast %parallel_loop3A_568 : vector<16x1xi32> to vector<16xi32>
        %parallel_loop3A_570 = tpu.dynamic_gather %parallel_loop3A_489[%parallel_loop3A_569] in [0] : vector<16xf32>, vector<16xi32> -> vector<16xf32>
        %parallel_loop3A_571 = arith.addf %parallel_loop3A_489, %parallel_loop3A_570 : vector<16xf32>
        %parallel_loop3A_572 = vector.shape_cast %xor3A_7 : vector<16xi32> to vector<16x1xi32>
        %parallel_loop3A_573 = vector.shape_cast %parallel_loop3A_572 : vector<16x1xi32> to vector<16xi32>
        %parallel_loop3A_574 = tpu.dynamic_gather %parallel_loop3A_571[%parallel_loop3A_573] in [0] : vector<16xf32>, vector<16xi32> -> vector<16xf32>
        %parallel_loop3A_575 = arith.addf %parallel_loop3A_571, %parallel_loop3A_574 : vector<16xf32>
        %parallel_loop3A_576 = vector.shape_cast %xor3A_10 : vector<16xi32> to vector<16x1xi32>
        %parallel_loop3A_577 = vector.shape_cast %parallel_loop3A_576 : vector<16x1xi32> to vector<16xi32>
        %parallel_loop3A_578 = tpu.dynamic_gather %parallel_loop3A_575[%parallel_loop3A_577] in [0] : vector<16xf32>, vector<16xi32> -> vector<16xf32>
        %parallel_loop3A_579 = arith.addf %parallel_loop3A_575, %parallel_loop3A_578 : vector<16xf32>
        %parallel_loop3A_580 = vector.shape_cast %xor3A_13 : vector<16xi32> to vector<16x1xi32>
        %parallel_loop3A_581 = vector.shape_cast %parallel_loop3A_580 : vector<16x1xi32> to vector<16xi32>
        %parallel_loop3A_582 = tpu.dynamic_gather %parallel_loop3A_579[%parallel_loop3A_581] in [0] : vector<16xf32>, vector<16xi32> -> vector<16xf32>
        %parallel_loop3A_583 = arith.addf %parallel_loop3A_579, %parallel_loop3A_582 : vector<16xf32>
        %parallel_loop3A_584 = arith.constant 3 : i32
        %parallel_loop3A_585 = vector.broadcast %parallel_loop3A_584 : i32 to vector<16xi32>
        %parallel_loop3A_586 = arith.cmpi eq, %iota3A, %parallel_loop3A_585 : vector<16xi32>
        %parallel_loop3A_587 = arith.select %parallel_loop3A_586, %parallel_loop3A_583, %parallel_loop3A_567 : vector<16xi1>, vector<16xf32>
        %parallel_loop3A_588 = vector.shape_cast %xor3A_4 : vector<16xi32> to vector<16x1xi32>
        %parallel_loop3A_589 = vector.shape_cast %parallel_loop3A_588 : vector<16x1xi32> to vector<16xi32>
        %parallel_loop3A_590 = tpu.dynamic_gather %parallel_loop3A_497[%parallel_loop3A_589] in [0] : vector<16xf32>, vector<16xi32> -> vector<16xf32>
        %parallel_loop3A_591 = arith.addf %parallel_loop3A_497, %parallel_loop3A_590 : vector<16xf32>
        %parallel_loop3A_592 = vector.shape_cast %xor3A_7 : vector<16xi32> to vector<16x1xi32>
        %parallel_loop3A_593 = vector.shape_cast %parallel_loop3A_592 : vector<16x1xi32> to vector<16xi32>
        %parallel_loop3A_594 = tpu.dynamic_gather %parallel_loop3A_591[%parallel_loop3A_593] in [0] : vector<16xf32>, vector<16xi32> -> vector<16xf32>
        %parallel_loop3A_595 = arith.addf %parallel_loop3A_591, %parallel_loop3A_594 : vector<16xf32>
        %parallel_loop3A_596 = vector.shape_cast %xor3A_10 : vector<16xi32> to vector<16x1xi32>
        %parallel_loop3A_597 = vector.shape_cast %parallel_loop3A_596 : vector<16x1xi32> to vector<16xi32>
        %parallel_loop3A_598 = tpu.dynamic_gather %parallel_loop3A_595[%parallel_loop3A_597] in [0] : vector<16xf32>, vector<16xi32> -> vector<16xf32>
        %parallel_loop3A_599 = arith.addf %parallel_loop3A_595, %parallel_loop3A_598 : vector<16xf32>
        %parallel_loop3A_600 = vector.shape_cast %xor3A_13 : vector<16xi32> to vector<16x1xi32>
        %parallel_loop3A_601 = vector.shape_cast %parallel_loop3A_600 : vector<16x1xi32> to vector<16xi32>
        %parallel_loop3A_602 = tpu.dynamic_gather %parallel_loop3A_599[%parallel_loop3A_601] in [0] : vector<16xf32>, vector<16xi32> -> vector<16xf32>
        %parallel_loop3A_603 = arith.addf %parallel_loop3A_599, %parallel_loop3A_602 : vector<16xf32>
        %parallel_loop3A_604 = arith.constant 4 : i32
        %parallel_loop3A_605 = vector.broadcast %parallel_loop3A_604 : i32 to vector<16xi32>
        %parallel_loop3A_606 = arith.cmpi eq, %iota3A, %parallel_loop3A_605 : vector<16xi32>
        %parallel_loop3A_607 = arith.select %parallel_loop3A_606, %parallel_loop3A_603, %parallel_loop3A_587 : vector<16xi1>, vector<16xf32>
        %parallel_loop3A_608 = vector.shape_cast %xor3A_4 : vector<16xi32> to vector<16x1xi32>
        %parallel_loop3A_609 = vector.shape_cast %parallel_loop3A_608 : vector<16x1xi32> to vector<16xi32>
        %parallel_loop3A_610 = tpu.dynamic_gather %parallel_loop3A_505[%parallel_loop3A_609] in [0] : vector<16xf32>, vector<16xi32> -> vector<16xf32>
        %parallel_loop3A_611 = arith.addf %parallel_loop3A_505, %parallel_loop3A_610 : vector<16xf32>
        %parallel_loop3A_612 = vector.shape_cast %xor3A_7 : vector<16xi32> to vector<16x1xi32>
        %parallel_loop3A_613 = vector.shape_cast %parallel_loop3A_612 : vector<16x1xi32> to vector<16xi32>
        %parallel_loop3A_614 = tpu.dynamic_gather %parallel_loop3A_611[%parallel_loop3A_613] in [0] : vector<16xf32>, vector<16xi32> -> vector<16xf32>
        %parallel_loop3A_615 = arith.addf %parallel_loop3A_611, %parallel_loop3A_614 : vector<16xf32>
        %parallel_loop3A_616 = vector.shape_cast %xor3A_10 : vector<16xi32> to vector<16x1xi32>
        %parallel_loop3A_617 = vector.shape_cast %parallel_loop3A_616 : vector<16x1xi32> to vector<16xi32>
        %parallel_loop3A_618 = tpu.dynamic_gather %parallel_loop3A_615[%parallel_loop3A_617] in [0] : vector<16xf32>, vector<16xi32> -> vector<16xf32>
        %parallel_loop3A_619 = arith.addf %parallel_loop3A_615, %parallel_loop3A_618 : vector<16xf32>
        %parallel_loop3A_620 = vector.shape_cast %xor3A_13 : vector<16xi32> to vector<16x1xi32>
        %parallel_loop3A_621 = vector.shape_cast %parallel_loop3A_620 : vector<16x1xi32> to vector<16xi32>
        %parallel_loop3A_622 = tpu.dynamic_gather %parallel_loop3A_619[%parallel_loop3A_621] in [0] : vector<16xf32>, vector<16xi32> -> vector<16xf32>
        %parallel_loop3A_623 = arith.addf %parallel_loop3A_619, %parallel_loop3A_622 : vector<16xf32>
        %parallel_loop3A_624 = arith.constant 5 : i32
        %parallel_loop3A_625 = vector.broadcast %parallel_loop3A_624 : i32 to vector<16xi32>
        %parallel_loop3A_626 = arith.cmpi eq, %iota3A, %parallel_loop3A_625 : vector<16xi32>
        %parallel_loop3A_627 = arith.select %parallel_loop3A_626, %parallel_loop3A_623, %parallel_loop3A_607 : vector<16xi1>, vector<16xf32>
        %parallel_loop3A_628 = arith.constant 64 : i32
        %parallel_loop3A_629 = arith.muli %scan3A_54, %parallel_loop3A_628 : i32
        %parallel_loop3A_630 = arith.addi %parallel_loop3A_629, %parallel_loop3A_95 : i32
        %parallel_loop3A_631 = vector.broadcast %parallel_loop3A_630 : i32 to vector<16xi32>
        %parallel_loop3A_632 = arith.addi %mul3A_89, %parallel_loop3A_631 : vector<16xi32>
        tpu.vector_store_idx %arg11[%parallel_loop3A_632], %parallel_loop3A_627 masked %lt3A_92 : memref<3072xf32, #tpu.memory_space<vmem>>[vector<16xi32>], vector<16xf32>, vector<16xi1>
      } {sc.loop_unroll_factor = 8 : i64, sc.parallel_access}
    }
    %scan3A_41 = arith.constant 8 : i32
    %add3A_42 = arith.constant 0 : i32
    %add3A_43 = arith.addi %add3A_42, %mul3A_2 : i32
    "tpu.region"() ({
      %run_scoped3A = tpu.sem_alloc : memref<!tpu.dma_semaphore, #tpu.memory_space<semaphore_mem>>
      %dma_start3A_54 = arith.constant 0 : i32
      %dma_start3A_55 = tpu.memref_slice %arg11[%dma_start3A_54] : memref<3072xf32, #tpu.memory_space<vmem>> -> memref<512xf32, #tpu.memory_space<vmem>>
      %dma_start3A_56 = tpu.memref_slice %arg6[%add3A_43] : memref<98304xf32, #tpu.memory_space<hbm>> -> memref<512xf32, #tpu.memory_space<hbm>>
      %dma_start3A_57 = tpu.memref_slice %arg6[%add3A_43] : memref<98304xf32, #tpu.memory_space<hbm>> -> memref<512xf32, #tpu.memory_space<hbm>>
      %dma_start3A_58 = arith.constant 0 : i32
      %dma_start3A_59 = tpu.memref_slice %arg11[%dma_start3A_58] : memref<3072xf32, #tpu.memory_space<vmem>> -> memref<512xf32, #tpu.memory_space<vmem>>
      tpu.enqueue_dma source(%dma_start3A_59 : memref<512xf32, #tpu.memory_space<vmem>>) target(%dma_start3A_57 : memref<512xf32, #tpu.memory_space<hbm>>) target_semaphore(%run_scoped3A : memref<!tpu.dma_semaphore, #tpu.memory_space<semaphore_mem>>)
      %dma_wait3A = arith.constant 0 : i32
      %dma_wait3A_60 = tpu.memref_slice %arg11[%dma_wait3A] : memref<3072xf32, #tpu.memory_space<vmem>> -> memref<512xf32, #tpu.memory_space<vmem>>
      %dma_wait3A_61 = tpu.memref_slice %arg6[%add3A_43] : memref<98304xf32, #tpu.memory_space<hbm>> -> memref<512xf32, #tpu.memory_space<hbm>>
      %dma_wait3A_62 = tpu.memref_slice %arg6[%add3A_43] : memref<98304xf32, #tpu.memory_space<hbm>> -> memref<512xf32, #tpu.memory_space<hbm>>
      %dma_wait3A_63 = arith.constant 0 : i32
      %dma_wait3A_64 = tpu.memref_slice %arg11[%dma_wait3A_63] : memref<3072xf32, #tpu.memory_space<vmem>> -> memref<512xf32, #tpu.memory_space<vmem>>
      tpu.wait_dma2 semaphore(%run_scoped3A : memref<!tpu.dma_semaphore, #tpu.memory_space<semaphore_mem>>) src(%dma_wait3A_64 : memref<512xf32, #tpu.memory_space<vmem>>) dst(%dma_wait3A_62 : memref<512xf32, #tpu.memory_space<hbm>>)
      tpu.yield
    }) : () -> ()
    %add3A_44 = arith.constant 16384 : i32
    %add3A_45 = arith.addi %add3A_44, %mul3A_2 : i32
    "tpu.region"() ({
      %run_scoped3A = tpu.sem_alloc : memref<!tpu.dma_semaphore, #tpu.memory_space<semaphore_mem>>
      %dma_start3A_54 = arith.constant 512 : i32
      %dma_start3A_55 = tpu.memref_slice %arg11[%dma_start3A_54] : memref<3072xf32, #tpu.memory_space<vmem>> -> memref<512xf32, #tpu.memory_space<vmem>>
      %dma_start3A_56 = tpu.memref_slice %arg6[%add3A_45] : memref<98304xf32, #tpu.memory_space<hbm>> -> memref<512xf32, #tpu.memory_space<hbm>>
      %dma_start3A_57 = tpu.memref_slice %arg6[%add3A_45] : memref<98304xf32, #tpu.memory_space<hbm>> -> memref<512xf32, #tpu.memory_space<hbm>>
      %dma_start3A_58 = arith.constant 512 : i32
      %dma_start3A_59 = tpu.memref_slice %arg11[%dma_start3A_58] : memref<3072xf32, #tpu.memory_space<vmem>> -> memref<512xf32, #tpu.memory_space<vmem>>
      tpu.enqueue_dma source(%dma_start3A_59 : memref<512xf32, #tpu.memory_space<vmem>>) target(%dma_start3A_57 : memref<512xf32, #tpu.memory_space<hbm>>) target_semaphore(%run_scoped3A : memref<!tpu.dma_semaphore, #tpu.memory_space<semaphore_mem>>)
      %dma_wait3A = arith.constant 512 : i32
      %dma_wait3A_60 = tpu.memref_slice %arg11[%dma_wait3A] : memref<3072xf32, #tpu.memory_space<vmem>> -> memref<512xf32, #tpu.memory_space<vmem>>
      %dma_wait3A_61 = tpu.memref_slice %arg6[%add3A_45] : memref<98304xf32, #tpu.memory_space<hbm>> -> memref<512xf32, #tpu.memory_space<hbm>>
      %dma_wait3A_62 = tpu.memref_slice %arg6[%add3A_45] : memref<98304xf32, #tpu.memory_space<hbm>> -> memref<512xf32, #tpu.memory_space<hbm>>
      %dma_wait3A_63 = arith.constant 512 : i32
      %dma_wait3A_64 = tpu.memref_slice %arg11[%dma_wait3A_63] : memref<3072xf32, #tpu.memory_space<vmem>> -> memref<512xf32, #tpu.memory_space<vmem>>
      tpu.wait_dma2 semaphore(%run_scoped3A : memref<!tpu.dma_semaphore, #tpu.memory_space<semaphore_mem>>) src(%dma_wait3A_64 : memref<512xf32, #tpu.memory_space<vmem>>) dst(%dma_wait3A_62 : memref<512xf32, #tpu.memory_space<hbm>>)
      tpu.yield
    }) : () -> ()
    %add3A_46 = arith.constant 32768 : i32
    %add3A_47 = arith.addi %add3A_46, %mul3A_2 : i32
    "tpu.region"() ({
      %run_scoped3A = tpu.sem_alloc : memref<!tpu.dma_semaphore, #tpu.memory_space<semaphore_mem>>
      %dma_start3A_54 = arith.constant 1024 : i32
      %dma_start3A_55 = tpu.memref_slice %arg11[%dma_start3A_54] : memref<3072xf32, #tpu.memory_space<vmem>> -> memref<512xf32, #tpu.memory_space<vmem>>
      %dma_start3A_56 = tpu.memref_slice %arg6[%add3A_47] : memref<98304xf32, #tpu.memory_space<hbm>> -> memref<512xf32, #tpu.memory_space<hbm>>
      %dma_start3A_57 = tpu.memref_slice %arg6[%add3A_47] : memref<98304xf32, #tpu.memory_space<hbm>> -> memref<512xf32, #tpu.memory_space<hbm>>
      %dma_start3A_58 = arith.constant 1024 : i32
      %dma_start3A_59 = tpu.memref_slice %arg11[%dma_start3A_58] : memref<3072xf32, #tpu.memory_space<vmem>> -> memref<512xf32, #tpu.memory_space<vmem>>
      tpu.enqueue_dma source(%dma_start3A_59 : memref<512xf32, #tpu.memory_space<vmem>>) target(%dma_start3A_57 : memref<512xf32, #tpu.memory_space<hbm>>) target_semaphore(%run_scoped3A : memref<!tpu.dma_semaphore, #tpu.memory_space<semaphore_mem>>)
      %dma_wait3A = arith.constant 1024 : i32
      %dma_wait3A_60 = tpu.memref_slice %arg11[%dma_wait3A] : memref<3072xf32, #tpu.memory_space<vmem>> -> memref<512xf32, #tpu.memory_space<vmem>>
      %dma_wait3A_61 = tpu.memref_slice %arg6[%add3A_47] : memref<98304xf32, #tpu.memory_space<hbm>> -> memref<512xf32, #tpu.memory_space<hbm>>
      %dma_wait3A_62 = tpu.memref_slice %arg6[%add3A_47] : memref<98304xf32, #tpu.memory_space<hbm>> -> memref<512xf32, #tpu.memory_space<hbm>>
      %dma_wait3A_63 = arith.constant 1024 : i32
      %dma_wait3A_64 = tpu.memref_slice %arg11[%dma_wait3A_63] : memref<3072xf32, #tpu.memory_space<vmem>> -> memref<512xf32, #tpu.memory_space<vmem>>
      tpu.wait_dma2 semaphore(%run_scoped3A : memref<!tpu.dma_semaphore, #tpu.memory_space<semaphore_mem>>) src(%dma_wait3A_64 : memref<512xf32, #tpu.memory_space<vmem>>) dst(%dma_wait3A_62 : memref<512xf32, #tpu.memory_space<hbm>>)
      tpu.yield
    }) : () -> ()
    %add3A_48 = arith.constant 49152 : i32
    %add3A_49 = arith.addi %add3A_48, %mul3A_2 : i32
    "tpu.region"() ({
      %run_scoped3A = tpu.sem_alloc : memref<!tpu.dma_semaphore, #tpu.memory_space<semaphore_mem>>
      %dma_start3A_54 = arith.constant 1536 : i32
      %dma_start3A_55 = tpu.memref_slice %arg11[%dma_start3A_54] : memref<3072xf32, #tpu.memory_space<vmem>> -> memref<512xf32, #tpu.memory_space<vmem>>
      %dma_start3A_56 = tpu.memref_slice %arg6[%add3A_49] : memref<98304xf32, #tpu.memory_space<hbm>> -> memref<512xf32, #tpu.memory_space<hbm>>
      %dma_start3A_57 = tpu.memref_slice %arg6[%add3A_49] : memref<98304xf32, #tpu.memory_space<hbm>> -> memref<512xf32, #tpu.memory_space<hbm>>
      %dma_start3A_58 = arith.constant 1536 : i32
      %dma_start3A_59 = tpu.memref_slice %arg11[%dma_start3A_58] : memref<3072xf32, #tpu.memory_space<vmem>> -> memref<512xf32, #tpu.memory_space<vmem>>
      tpu.enqueue_dma source(%dma_start3A_59 : memref<512xf32, #tpu.memory_space<vmem>>) target(%dma_start3A_57 : memref<512xf32, #tpu.memory_space<hbm>>) target_semaphore(%run_scoped3A : memref<!tpu.dma_semaphore, #tpu.memory_space<semaphore_mem>>)
      %dma_wait3A = arith.constant 1536 : i32
      %dma_wait3A_60 = tpu.memref_slice %arg11[%dma_wait3A] : memref<3072xf32, #tpu.memory_space<vmem>> -> memref<512xf32, #tpu.memory_space<vmem>>
      %dma_wait3A_61 = tpu.memref_slice %arg6[%add3A_49] : memref<98304xf32, #tpu.memory_space<hbm>> -> memref<512xf32, #tpu.memory_space<hbm>>
      %dma_wait3A_62 = tpu.memref_slice %arg6[%add3A_49] : memref<98304xf32, #tpu.memory_space<hbm>> -> memref<512xf32, #tpu.memory_space<hbm>>
      %dma_wait3A_63 = arith.constant 1536 : i32
      %dma_wait3A_64 = tpu.memref_slice %arg11[%dma_wait3A_63] : memref<3072xf32, #tpu.memory_space<vmem>> -> memref<512xf32, #tpu.memory_space<vmem>>
      tpu.wait_dma2 semaphore(%run_scoped3A : memref<!tpu.dma_semaphore, #tpu.memory_space<semaphore_mem>>) src(%dma_wait3A_64 : memref<512xf32, #tpu.memory_space<vmem>>) dst(%dma_wait3A_62 : memref<512xf32, #tpu.memory_space<hbm>>)
      tpu.yield
    }) : () -> ()
    %add3A_50 = arith.constant 65536 : i32
    %add3A_51 = arith.addi %add3A_50, %mul3A_2 : i32
    "tpu.region"() ({
      %run_scoped3A = tpu.sem_alloc : memref<!tpu.dma_semaphore, #tpu.memory_space<semaphore_mem>>
      %dma_start3A_54 = arith.constant 2048 : i32
      %dma_start3A_55 = tpu.memref_slice %arg11[%dma_start3A_54] : memref<3072xf32, #tpu.memory_space<vmem>> -> memref<512xf32, #tpu.memory_space<vmem>>
      %dma_start3A_56 = tpu.memref_slice %arg6[%add3A_51] : memref<98304xf32, #tpu.memory_space<hbm>> -> memref<512xf32, #tpu.memory_space<hbm>>
      %dma_start3A_57 = tpu.memref_slice %arg6[%add3A_51] : memref<98304xf32, #tpu.memory_space<hbm>> -> memref<512xf32, #tpu.memory_space<hbm>>
      %dma_start3A_58 = arith.constant 2048 : i32
      %dma_start3A_59 = tpu.memref_slice %arg11[%dma_start3A_58] : memref<3072xf32, #tpu.memory_space<vmem>> -> memref<512xf32, #tpu.memory_space<vmem>>
      tpu.enqueue_dma source(%dma_start3A_59 : memref<512xf32, #tpu.memory_space<vmem>>) target(%dma_start3A_57 : memref<512xf32, #tpu.memory_space<hbm>>) target_semaphore(%run_scoped3A : memref<!tpu.dma_semaphore, #tpu.memory_space<semaphore_mem>>)
      %dma_wait3A = arith.constant 2048 : i32
      %dma_wait3A_60 = tpu.memref_slice %arg11[%dma_wait3A] : memref<3072xf32, #tpu.memory_space<vmem>> -> memref<512xf32, #tpu.memory_space<vmem>>
      %dma_wait3A_61 = tpu.memref_slice %arg6[%add3A_51] : memref<98304xf32, #tpu.memory_space<hbm>> -> memref<512xf32, #tpu.memory_space<hbm>>
      %dma_wait3A_62 = tpu.memref_slice %arg6[%add3A_51] : memref<98304xf32, #tpu.memory_space<hbm>> -> memref<512xf32, #tpu.memory_space<hbm>>
      %dma_wait3A_63 = arith.constant 2048 : i32
      %dma_wait3A_64 = tpu.memref_slice %arg11[%dma_wait3A_63] : memref<3072xf32, #tpu.memory_space<vmem>> -> memref<512xf32, #tpu.memory_space<vmem>>
      tpu.wait_dma2 semaphore(%run_scoped3A : memref<!tpu.dma_semaphore, #tpu.memory_space<semaphore_mem>>) src(%dma_wait3A_64 : memref<512xf32, #tpu.memory_space<vmem>>) dst(%dma_wait3A_62 : memref<512xf32, #tpu.memory_space<hbm>>)
      tpu.yield
    }) : () -> ()
    %add3A_52 = arith.constant 81920 : i32
    %add3A_53 = arith.addi %add3A_52, %mul3A_2 : i32
    "tpu.region"() ({
      %run_scoped3A = tpu.sem_alloc : memref<!tpu.dma_semaphore, #tpu.memory_space<semaphore_mem>>
      %dma_start3A_54 = arith.constant 2560 : i32
      %dma_start3A_55 = tpu.memref_slice %arg11[%dma_start3A_54] : memref<3072xf32, #tpu.memory_space<vmem>> -> memref<512xf32, #tpu.memory_space<vmem>>
      %dma_start3A_56 = tpu.memref_slice %arg6[%add3A_53] : memref<98304xf32, #tpu.memory_space<hbm>> -> memref<512xf32, #tpu.memory_space<hbm>>
      %dma_start3A_57 = tpu.memref_slice %arg6[%add3A_53] : memref<98304xf32, #tpu.memory_space<hbm>> -> memref<512xf32, #tpu.memory_space<hbm>>
      %dma_start3A_58 = arith.constant 2560 : i32
      %dma_start3A_59 = tpu.memref_slice %arg11[%dma_start3A_58] : memref<3072xf32, #tpu.memory_space<vmem>> -> memref<512xf32, #tpu.memory_space<vmem>>
      tpu.enqueue_dma source(%dma_start3A_59 : memref<512xf32, #tpu.memory_space<vmem>>) target(%dma_start3A_57 : memref<512xf32, #tpu.memory_space<hbm>>) target_semaphore(%run_scoped3A : memref<!tpu.dma_semaphore, #tpu.memory_space<semaphore_mem>>)
      %dma_wait3A = arith.constant 2560 : i32
      %dma_wait3A_60 = tpu.memref_slice %arg11[%dma_wait3A] : memref<3072xf32, #tpu.memory_space<vmem>> -> memref<512xf32, #tpu.memory_space<vmem>>
      %dma_wait3A_61 = tpu.memref_slice %arg6[%add3A_53] : memref<98304xf32, #tpu.memory_space<hbm>> -> memref<512xf32, #tpu.memory_space<hbm>>
      %dma_wait3A_62 = tpu.memref_slice %arg6[%add3A_53] : memref<98304xf32, #tpu.memory_space<hbm>> -> memref<512xf32, #tpu.memory_space<hbm>>
      %dma_wait3A_63 = arith.constant 2560 : i32
      %dma_wait3A_64 = tpu.memref_slice %arg11[%dma_wait3A_63] : memref<3072xf32, #tpu.memory_space<vmem>> -> memref<512xf32, #tpu.memory_space<vmem>>
      tpu.wait_dma2 semaphore(%run_scoped3A : memref<!tpu.dma_semaphore, #tpu.memory_space<semaphore_mem>>) src(%dma_wait3A_64 : memref<512xf32, #tpu.memory_space<vmem>>) dst(%dma_wait3A_62 : memref<512xf32, #tpu.memory_space<hbm>>)
      tpu.yield
    }) : () -> ()
    return
  }
}

module attributes {stable_mosaic.version = 14 : i64} {
  func.func @_tc_loss_body(%arg0: memref<6x16384xf32, #tpu.memory_space<vmem>>, %arg1: memref<1x1xf32, #tpu.memory_space<vmem>>) attributes {dimension_semantics = [], scalar_prefetch = 0 : i64, scratch_operands = 0 : i64, tpu.core_type = #tpu.core_type<tc>} {
    %get3A = arith.constant 0 : index
    %get3A_0 = arith.constant 0 : index
    %get3A_1 = vector.load %arg0[%get3A, %get3A_0] : memref<6x16384xf32, #tpu.memory_space<vmem>>, vector<6x16384xf32>
    %slice3A = vector.extract_strided_slice %get3A_1 {offsets = [0, 0], sizes = [1, 16384], strides = [1, 1]} : vector<6x16384xf32> to vector<1x16384xf32>
    %squeeze3A = vector.shape_cast %slice3A : vector<1x16384xf32> to vector<16384xf32>
    %slice3A_2 = vector.extract_strided_slice %get3A_1 {offsets = [1, 0], sizes = [5, 16384], strides = [1, 1]} : vector<6x16384xf32> to vector<5x16384xf32>
    %logistic3A = arith.negf %squeeze3A : vector<16384xf32>
    %logistic3A_3 = math.exp %logistic3A : vector<16384xf32>
    %logistic3A_4 = arith.constant 1.000000e+00 : f32
    %logistic3A_5 = vector.broadcast %logistic3A_4 : f32 to vector<16384xf32>
    %logistic3A_6 = arith.addf %logistic3A_5, %logistic3A_3 : vector<16384xf32>
    %logistic3A_7 = arith.divf %logistic3A_5, %logistic3A_6 : vector<16384xf32>
    %add3A = arith.constant 9.99999993E-9 : f32
    %add3A_8 = vector.broadcast %add3A : f32 to vector<16384xf32>
    %add3A_9 = arith.addf %logistic3A_7, %add3A_8 : vector<16384xf32>
    %log3A = math.log %add3A_9 : vector<16384xf32>
    %neg3A = arith.constant 0.000000e+00 : f32
    %neg3A_10 = vector.broadcast %neg3A : f32 to vector<16384xf32>
    %neg3A_11 = arith.subf %neg3A_10, %log3A : vector<16384xf32>
    %neg3A_12 = arith.constant 0.000000e+00 : f32
    %neg3A_13 = vector.broadcast %neg3A_12 : f32 to vector<5x16384xf32>
    %neg3A_14 = arith.subf %neg3A_13, %slice3A_2 : vector<5x16384xf32>
    %logistic3A_15 = arith.negf %neg3A_14 : vector<5x16384xf32>
    %logistic3A_16 = math.exp %logistic3A_15 : vector<5x16384xf32>
    %logistic3A_17 = arith.constant 1.000000e+00 : f32
    %logistic3A_18 = vector.broadcast %logistic3A_17 : f32 to vector<5x16384xf32>
    %logistic3A_19 = arith.addf %logistic3A_18, %logistic3A_16 : vector<5x16384xf32>
    %logistic3A_20 = arith.divf %logistic3A_18, %logistic3A_19 : vector<5x16384xf32>
    %add3A_21 = arith.constant 9.99999993E-9 : f32
    %add3A_22 = vector.broadcast %add3A_21 : f32 to vector<5x16384xf32>
    %add3A_23 = arith.addf %logistic3A_20, %add3A_22 : vector<5x16384xf32>
    %log3A_24 = math.log %add3A_23 : vector<5x16384xf32>
    %neg3A_25 = arith.constant 0.000000e+00 : f32
    %neg3A_26 = vector.broadcast %neg3A_25 : f32 to vector<5x16384xf32>
    %neg3A_27 = arith.subf %neg3A_26, %log3A_24 : vector<5x16384xf32>
    %reduce_sum3A = vector.shape_cast %neg3A_11 : vector<16384xf32> to vector<1x16384xf32>
    %reduce_sum3A_28 = arith.constant dense<0.000000e+00> : vector<1xf32>
    %reduce_sum3A_29 = vector.multi_reduction <add>, %reduce_sum3A, %reduce_sum3A_28 [1] : vector<1x16384xf32> to vector<1xf32>
    %reduce_sum3A_30 = vector.shape_cast %reduce_sum3A_29 : vector<1xf32> to vector<1x1xf32>
    %reduce_sum3A_31 = vector.extract %reduce_sum3A_30[0, 0] : f32 from vector<1x1xf32>
    %div3A = arith.constant 1.638400e+04 : f32
    %div3A_32 = arith.divf %reduce_sum3A_31, %div3A : f32
    %reduce_sum3A_33 = vector.shape_cast %neg3A_27 : vector<5x16384xf32> to vector<1x5x16384xf32>
    %reduce_sum3A_34 = arith.constant dense<0.000000e+00> : vector<1xf32>
    %reduce_sum3A_35 = vector.multi_reduction <add>, %reduce_sum3A_33, %reduce_sum3A_34 [1, 2] : vector<1x5x16384xf32> to vector<1xf32>
    %reduce_sum3A_36 = vector.shape_cast %reduce_sum3A_35 : vector<1xf32> to vector<1x1x1xf32>
    %reduce_sum3A_37 = vector.extract %reduce_sum3A_36[0, 0, 0] : f32 from vector<1x1x1xf32>
    %div3A_38 = arith.constant 8.192000e+04 : f32
    %div3A_39 = arith.divf %reduce_sum3A_37, %div3A_38 : f32
    %add3A_40 = arith.addf %div3A_32, %div3A_39 : f32
    %broadcast_in_dim3A = vector.broadcast %add3A_40 : f32 to vector<1x1xf32>
    %swap3A = arith.constant 0 : index
    %swap3A_41 = arith.constant 0 : index
    %swap3A_42 = vector.load %arg1[%swap3A, %swap3A_41] : memref<1x1xf32, #tpu.memory_space<vmem>>, vector<1x1xf32>
    tpu.vector_store %arg1[%swap3A, %swap3A_41], %broadcast_in_dim3A {strides = array<i32>} : memref<1x1xf32, #tpu.memory_space<vmem>>, vector<1x1xf32>,
    return
  }
}

</mosaic_0001>

<sc_bundles>
// kernel: kernel.4.cloned.1.call-start
scs
__scs_entry_jumppad:
0x0: {  	(pc) =	sbr.rel $0x88, $3  }
0x1: {  	(tag) =	ssettag $0x0;
	lr =	simm.s32 $0x1  }
0x2: {  	[smem:$0x3F9C] =	sst lr;
	_ =	strace $0xD0000000  }
0x3: {  	_ = 	snop  }
0x4: {  	_ = 	snop  }
0x5: {  	_ = 	snop  }
0x6: {  	_ = 	snop  }
0x7: {  	_ = 	snop  }
__scs_overlays_trampoline_lowered:
0x8: {  	[smem:$0x3FAB] =	sst s0  }
0x9: {  	[smem:$0x3FAC] =	sst s1  }
0xa: {  	[smem:$0x3FAD] =	sst s2  }
0xb: {  	[smem:$0x3FAE] =	sst s3  }
0xc: {  	[smem:$0x3FAF] =	sst s4  }
0xd: {  	[smem:$0x3FB0] =	sst s5  }
0xe: {  	[smem:$0x3FB1] =	sst s6  }
0xf: {  	[smem:$0x3FB2] =	sst s7  }
0x10: {  	[smem:$0x3FB3] =	sst s8  }
0x11: {  	[smem:$0x3FB4] =	sst s9;
	s0 =	simm.s32 @!p0 $0x0  }
0x12: {  	s1 =	sld [smem:$0x3F9A];
	s0 =	simm.s32 @p0 $0x1  }
0x13: {  	[smem:$0x3FB5] =	sst s0;
	s0 =	simm.s32 @!p1 $0x0  }
0x14: {  	s2 =	sld [smem:$0x3F99];
	s0 =	simm.s32 @p1 $0x1  }
0x15: {  	[smem:$0x3FB6] =	sst s0;
	s0 =	simm.s32 @!p2 $0x0  }
0x16: {  	s3 =	sld [smem:$0x3FDB];
	s0 =	simm.s32 @p2 $0x1  }
0x17: {  	s4 =	simm.s32 $0x1BF5;
	[smem:$0x3FB8] =	sst s0  }
0x18: {  	s0 =	sld [smem:$0x3F9B];
	_ =	swait.ge [sflag:s4], $0x0  }
0x19: {  	s7 =	sld [smem:$0x3F9C]  }
0x1a: {  	s8 =	sadd.s32 $0xFFFFE003, lr  }
0x1b: {  	s9 =	sadd.s32 $0xFFFFFEF7, lr;
	s5 =	simm.s32 $0xFFFFFFFF;
	p2 =	slt.u32 s8, $0xFFFFF086  }
0x1c: {  	p1 =	slt.u32 s9, $0xF7A;
	s5 =	simm.s32 @!p2 $0x0  }
0x1d: {  	s5 =	simm.s32 @p1 $0x1;
	p0 =	seq.s32 s7, s2  }
0x1e: {  	s7 =	smul.u32 @!p0 $0xF7A, s2;
	p2 =	seq.s32 @!p0 s5, $0x0  }
0x1f: {  	s9 =	smul.u32 $0xF7A, s1;
	s8 =	simm.s32 @!p0 $0x1BF5;
	p2 =	por !p2, p0  }
0x20: {  	[sflag:s8] =	ssyncset.s32 @!p0 $0xFFFFF086;
	s6 =	sadd.s32 @!p0 s3, s7;
	s7 =	simm.s32 @!p0 $0x108  }
0x21: {  	s3 =	sadd.s32 s3, s9;
	s6 =	sadd.s32 @!p0 $0x88, s6;
	s7 =	simm.s32 @p2 $0x1082  }
0x22: {  	[simem:s7], [sflag:s8] =	dma.local @!p0 [hbm:s6], $0xF7A  }
0x23: {  	s9 =	sor.u32 $0xD0000000, s2;
	s6 =	simm.s32 $0x108;
	_ =	swait.ge @!p0 [sflag:s8], $0x0  }
0x24: {  	s3 =	sadd.s32 $0x88, s3;
	s6 =	simm.s32 @!p1 $0x1082;
	[sflag:s4] =	ssyncset.s32 $0xFFFFF086  }
0x25: {  	[simem:s6], [sflag:s4] =	dma.local [hbm:s3], $0xF7A  }
0x26: {  	[smem:$0x3F9C] =	sst s1;
	(tag) =	ssettag s2;
	_ =	strace s9  }
0x27: {  	s1 =	sld [smem:$0x3FAC]  }
0x28: {  	s2 =	sld [smem:$0x3FAD]  }
0x29: {  	s4 =	sld [smem:$0x3FAF]  }
0x2a: {  	p0 =	seq.s32 s5, $0x0;
	s5 =	sld [smem:$0x3FB0]  }
0x2b: {  	s6 =	sld [smem:$0x3FB1]  }
0x2c: {  	s7 =	sld [smem:$0x3FB2]  }
0x2d: {  	s3 =	simm.s32 $0x108;
	s8 =	sld [smem:$0x3FB3]  }
0x2e: {  	s3 =	simm.s32 @!p0 $0x1082;
	s9 =	sld [smem:$0x3FB4]  }
0x2f: {  	lr =	sadd.s32 s0, s3;
	s0 =	sld [smem:$0x3FAB]  }
0x30: {  	s3 =	sld [smem:$0x3FAE]  }
0x31: {  	[smem:$0x3FB7] =	sst s10  }
0x32: {  	s10 =	sld [smem:$0x3FB5];
	_ =	sdelay $0x3  }
0x33: {  	p0 =	seq.s32 s10, $0x1;
	s10 =	sld [smem:$0x3FB7];
	_ =	sdelay $0x3  }
0x34: {  	[smem:$0x3FB7] =	sst s10  }
0x35: {  	s10 =	sld [smem:$0x3FB6];
	_ =	sdelay $0x3  }
0x36: {  	p1 =	seq.s32 s10, $0x1;
	s10 =	sld [smem:$0x3FB7];
	_ =	sdelay $0x3  }
0x37: {  	[smem:$0x3FB7] =	sst s10  }
0x38: {  	s10 =	sld [smem:$0x3FB8]  }
0x39: {  	_ = 	snop;
	(pc) =	sbr.ind lr, $3  }
0x3a: {  	_ = 	snop  }
0x3b: {  	_ = 	snop  }
0x3c: {  	p2 =	seq.s32 s10, $0x1;
	s10 =	sld [smem:$0x3FB7]  }
0x3d: {  	_ =	shalt  }
0x3e: {  	_ =	shalt  }
0x3f: {  	_ =	shalt  }
0x40: {  	_ =	shalt  }
0x41: {  	_ =	shalt  }
0x42: {  	_ =	shalt  }
0x43: {  	_ =	shalt  }
0x44: {  	_ =	shalt  }
0x45: {  	_ =	shalt  }
0x46: {  	_ =	shalt  }
0x47: {  	_ =	shalt  }
0x48: {  	_ =	shalt  }
0x49: {  	_ =	shalt  }
0x4a: {  	_ =	shalt  }
0x4b: {  	_ =	shalt  }
0x4c: {  	_ =	shalt  }
0x4d: {  	_ =	shalt  }
0x4e: {  	_ =	shalt  }
0x4f: {  	_ =	shalt  }
0x50: {  	_ =	shalt  }
0x51: {  	_ =	shalt  }
0x52: {  	_ =	shalt  }
0x53: {  	_ =	shalt  }
0x54: {  	_ =	shalt  }
0x55: {  	_ =	shalt  }
0x56: {  	_ =	shalt  }
0x57: {  	_ =	shalt  }
0x58: {  	_ =	shalt  }
0x59: {  	_ =	shalt  }
0x5a: {  	_ =	shalt  }
0x5b: {  	_ =	shalt  }
0x5c: {  	_ =	shalt  }
0x5d: {  	_ =	shalt  }
0x5e: {  	_ =	shalt  }
0x5f: {  	_ =	shalt  }
0x60: {  	_ =	shalt  }
0x61: {  	_ =	shalt  }
0x62: {  	_ =	shalt  }
0x63: {  	_ =	shalt  }
0x64: {  	_ =	shalt  }
0x65: {  	_ =	shalt  }
0x66: {  	_ =	shalt  }
0x67: {  	_ =	shalt  }
0x68: {  	_ =	shalt  }
0x69: {  	_ =	shalt  }
0x6a: {  	_ =	shalt  }
0x6b: {  	_ =	shalt  }
0x6c: {  	_ =	shalt  }
0x6d: {  	_ =	shalt  }
0x6e: {  	_ =	shalt  }
0x6f: {  	_ =	shalt  }
0x70: {  	_ =	shalt  }
0x71: {  	_ =	shalt  }
0x72: {  	_ =	shalt  }
0x73: {  	_ =	shalt  }
0x74: {  	_ =	shalt  }
0x75: {  	_ =	shalt  }
0x76: {  	_ =	shalt  }
0x77: {  	_ =	shalt  }
0x78: {  	_ =	shalt  }
0x79: {  	_ =	shalt  }
0x7a: {  	_ =	shalt  }
0x7b: {  	_ =	shalt  }
0x7c: {  	_ =	shalt  }
0x7d: {  	_ =	shalt  }
0x7e: {  	_ =	shalt  }
0x7f: {  	_ =	shalt  }
0x80: {  	_ =	shalt  }
0x81: {  	_ =	shalt  }
0x82: {  	_ =	shalt  }
0x83: {  	_ =	shalt  }
0x84: {  	_ =	shalt  }
0x85: {  	_ =	shalt  }
0x86: {  	_ =	shalt  }
0x87: {  	_ =	shalt  }
.Lfunc_end0:
.L_simem_size_0:
called_computation_lowered:
.L_overlay_start_0:
0x88: {  	s2 =	sld [smem:$0x3FD9]  }
0x89: {  	s3 =	sld [smem:$0x3FFE];
	_ =	sdelay $0x1  }
0x8a: {  	s1 =	srdreg.scid  }
0x8b: {  	s0 =	sand.u32 $0x1, s1  }
0x8c: {  	s17 =	sshll.u32 s0, $0xA;
	s2 =	sadd.s32 s3, s2  }
0x8d: {  	s2 =	sadd.s32 s2, s17  }
0x8e: {  	[smem:$0x3FC3] =	sst s2  }
0x8f: {  	_ = 	snop  }
0x90: {  	s2 =	sld [smem:$0x3FC9]  }
0x91: {  	s18 =	sld [smem:$0x3FC8]  }
0x92: {  	s4 =	sld [smem:$0x3FC7];
	(tm) =	ssettm $0x1  }
0x93: {  	s5 =	sld [smem:$0x3FFB];
	_ =	sdelay $0x3  }
0x94: {  	_ =	strace s5  }
0x95: {  	s5 =	sld [smem:$0x3FFC];
	_ =	sdelay $0x3  }
0x96: {  	_ =	strace s5  }
0x97: {  	s5 =	sld [smem:$0x3FFD];
	_ =	sdelay $0x3  }
0x98: {  	_ =	strace s5  }
0x99: {  	_ =	strace $0x8FFFFFFF  }
0x9a: {  	s19 =	sld [smem:$0x3FDB];
	_ =	sdelay $0x1  }
0x9b: {  	s6 =	simm.s32 $_scs_section_size  }
0x9c: {  	s7 =	simm.s32 $_size__tile_overlayer_lowered;
	s8 =	simm.s32 $_tile_overlayer_lowered  }
0x9d: {  	s22 =	simm.s32 $0x1BFF;
	s21 =	sshll.u32 s8, $0x1;
	s5 =	sadd.s32 s6, s19  }
0x9e: {  	s9 =	simm.s32 $0x0;
	s20 =	sshll.u32 s7, $0x1;
	s7 =	sadd.s32 s21, s5  }
0x9f: {  	[timem:s9], [sflag:s22] =	dma.local [hbm:s7], s20  }
0xa0: {  	_ =	swait.ge [sflag:s22], s20  }
0xa1: {  	s6 =	ssub.s32 $0x0, s20;
	[sflag:s22] =	ssyncset.done $0x0  }
0xa2: {  	[sflag:s22] =	ssyncadd.s32 s6;
	_ =	sdelay $0x1  }
0xa3: {  	s23 =	simm.s32 $0x1B8B  }
0xa4: {  	_ =	swait.ge [sflag:s23], $0x1  }
0xa5: {  	[sflag:s23] =	ssyncset.done $0x0  }
0xa6: {  	s25 =	simm.s32 $0x1B8E;
	s24 =	sld [smem:$0x3FFE];
	[sflag:s23] =	ssyncadd.s32 $0xFFFFFFFF  }
0xa7: {  	s26 =	simm.s32 $execute0_lowered;
	[smem:$0x3FD2] =	sst s25  }
0xa8: {  	s7 =	sshll.u32 s26, $0x1;
	_ =	strace $0x80000046;
	[dreg:$0x1] =	wrdreg $0xFFFFFFFF  }
0xa9: {  	s28 =	simm.s32 $_size_execute0_lowered;
	s5 =	sadd.s32 s5, s7;
	[dreg:$0x0] =	wrdreg $0x0  }
0xaa: {  	s7 =	sshll.u32 s28, $0x1;
	[dreg:$0x2] =	wrdreg s5  }
0xab: {  	[dreg:$0x3] =	wrdreg s7  }
0xac: {  	[dreg:$0x4] =	wrdreg $0xC0  }
0xad: {  	_ =	task [dreg:s9], $0x5FFFF  }
0xae: {  	[dreg:$0x1] =	wrdreg $0xFFFFFFFF  }
0xaf: {  	[dreg:$0x0] =	wrdreg $0x60  }
0xb0: {  	[dreg:$0x2] =	wrdreg s2  }
0xb1: {  	[dreg:$0x3] =	wrdreg s18  }
0xb2: {  	[dreg:$0x4] =	wrdreg s4  }
0xb3: {  	[dreg:$0x5] =	wrdreg s24  }
0xb4: {  	[dreg:$0x6] =	wrdreg $0x9  }
0xb5: {  	_ =	task.clear_ibuf [dreg:s9], $0x7FFFF;
	_ =	strace $0x90000046  }
0xb6: {  	s29 =	simm.s32 $0x9;
	_ =	strace $0x80000048  }
0xb7: {  	_ =	swait.ge [sflag:s29], $0x1  }
0xb8: {  	[sflag:s29] =	ssyncadd.s32 $0xFFFFFFFF  }
0xb9: {  	_ =	strace $0x90000048  }
0xba: {  	_ =	sfence  }
0xbb: {  	s30 =	sld [smem:$0x0];
	_ =	sdelay $0x2  }
0xbc: {  	s31 =	sshll.u32 s1, $0xD;
	s1 =	sshrl.u32 s1, $0x2  }
0xbd: {  	s3 =	sand.u32 $0x4000, s31;
	s1 =	sadd.s32 s1, s30  }
0xbe: {  	s0 =	sor.u32 s3, s0;
	s1 =	sshll.u32 s1, $0x11  }
0xbf: {  	s0 =	sor.u32 s1, s0  }
0xc0: {  	s0 =	sadd.s32 $0x8F2B, s0  }
0xc1: {  	[sflag:s0] =	ssyncadd.remote.s32 $0x1  }
0xc2: {  	_ =	sfence.sel $0xFFFF  }
0xc3: {  	[dreg:$0x0] =	wrdreg $0xFFFFFFFF;
	(pc) =	sbr.abs _section_cstart, $3  }
0xc4: {  	[dreg:$0x1] =	wrdreg $0xFFFFFFFF  }
0xc5: {  	_ =	task.clear_ibuf [dreg:s9], $0x2FFFF;
	_ =	strace $0x9FFFFFFF  }
0xc6: {  	(tm) =	ssettm $0x7FFFFFFF  }
0xc7: {  	_ =	shalt  }
tec
execute0_lowered:
.L_overlay_start_1:
0x0: {  	(tag) =	ssettag $0x1  }
0x1: {  	s0 =	rddreg [dreg:$0x0]  }
0x2: {  	s1 =	rddreg [dreg:$0x1];
	v0 =	vimm.s32 $0xEFCDAB89;
	v1 =	vimm.s32 $0x67452301;
	v2 =	vimm.s32 $0xDCFE98BA  }
0x3: {  	s2 =	rddreg [dreg:$0x2];
	v3 =	vimm.s32 $0x54761032;
	v4 =	vimm.s32 $0xBA98FEDC;
	v5 =	vimm.s32 $0x32107654  }
0x4: {  	s3 =	srdreg.scid;
	s4 =	stileid.u32;
	v6 =	vimm.s32 $0xFEDCBA98;
	v7 =	vimm.s32 $0x76543210;
	v0 =	vunpack.c.l.s4.s8 v0  }
0x5: {  	s5 =	rddreg [dreg:$0x3];
	s14 =	simm.s32 $0x2;
	s15 =	simm.s32 $0x200;
	v1 =	vunpack.c.l.s4.s8 v1;
	v2 =	vunpack.c.l.s4.s8 v2;
	v3 =	vunpack.c.l.s4.s8 v3  }
0x6: {  	s20 =	simm.s32 $0x1;
	s21 =	simm.s32 $0x1CE00;
	s22 =	simm.s32 $0x1D000;
	v4 =	vunpack.c.l.s4.s8 v4;
	v5 =	vunpack.c.l.s4.s8 v5;
	v0 =	vunpack.c.0.s8.s32 v0  }
0x7: {  	s23 =	simm.s32 $0x1D200;
	s24 =	simm.s32 $0x1D400;
	s25 =	simm.s32 $0x1D600;
	v1 =	vunpack.c.0.s8.s32 v1;
	v2 =	vunpack.c.0.s8.s32 v2;
	v3 =	vunpack.c.0.s8.s32 v3  }
0x8: {  	s26 =	simm.s32 $0x1D800;
	s3 =	sand.u32 $0x1, s3;
	s6 =	sshll.u32 s4, $0x1;
	v6 =	vunpack.c.l.s4.s8 v6;
	v4 =	vunpack.c.0.s8.s32 v4;
	v5 =	vunpack.c.0.s8.s32 v5  }
0x9: {  	s28 =	simm.s32 $0x0;
	s4 =	simm.s32 $0x0;
	s6 =	sor.u32 s3, s6;
	v0 =	vcombine.low v1, v0;
	v1 =	vunpack.c.l.s4.s8 v7;
	v2 =	vcombine.low v3, v2  }
0xa: {  	[smem:$0x7FF] =	sst s4;
	s3 =	ssub.s32 $0x2, s3;
	s7 =	smul.u32 $0x180, s6;
	v3 =	vcombine.low v5, v4;
	v4 =	vunpack.c.0.s8.s32 v6  }
0xb: {  	_ =	strace $0x80000047;
	s6 =	sshll.u32 s6, $0x6;
	s31 =	sshrl.u32 s3, $0x1;
	v5 =	vunpack.c.0.s8.s32 v1;
	v1 =	vand.u32 $0xF, v2  }
0xc: {  	s12 =	sadd.s32 s6, s5;
	s3 =	ssub.s32 s3, s31;
	s7 =	sadd.s32 s7, s5;
	v2 =	vand.u32 $0xF, v3;
	v3 =	vand.u32 $0xF, v4;
	v4 =	vlaneseq.u32  }
0xd: {  	vm0 =	vmmov $0x1;
	vm1 =	vcmask $0x318;
	s5 =	sadd.s32 s2, s6;
	s8 =	sadd.s32 $0x3C00, s12;
	s9 =	sadd.s32 $0x4400, s12;
	v20 =	vmul.u32 $0x200, v4  }
0xe: {  	vm2 =	vcmask $0x718;
	vm3 =	vcmask $0xB18;
	vm4 =	vcmask $0xF18;
	s10 =	sadd.s32 $0x4C00, s12;
	s11 =	sadd.s32 $0x5400, s12;
	s13 =	smax.u32 s3, $0x1  }
0xf: {  	vm5 =	vcmask $0x1318;
	s6 =	sadd.s32 $0x400, s7;
	s7 =	sadd.s32 $0x3400, s12;
	s12 =	sadd.s32 $0x5C00, s12;
	v57 =	vand.u32 $0xF, v0;
	v3 =	vcombine.low v3, v5;
	[tilespmem:$0x1FFF0] =	vst v20  }
.LBB2_1:
0x10: {  	[tilespmem:s4], [sflag:$0x2] =	stream.linear.gather [hbm4b:s5+s4], $0x200, $0x38;
	[tilespmem:$0x1DA00] =	vst v63  }
0x11: {  	_ =	swait.ge [sflag:s14], $0x200  }
0x12: {  	[sflag:s14] =	ssyncset.done $0x0  }
0x13: {  	[sflag:s14] =	ssyncadd.s32 $0xFFFFFE00  }
0x14: {  	[tilespmem:s15], [sflag:$0x2] =	stream.linear.gather [hbm4b:s6+s4], $0xC00, $0x38;
	[tilespmem:$0x1DA00] =	vst v63  }
0x15: {  	_ =	swait.ge [sflag:s14], $0xC00  }
0x16: {  	[sflag:s14] =	ssyncset.done $0x0  }
0x17: {  	s2 =	simm.s32 $0x40;
	s3 =	simm.s32 $0xE00;
	[sflag:s14] =	ssyncadd.s32 $0xFFFFF400  }
0x18: {  	[tilespmem:s3], [sflag:$0x1] =	stream.indirect.gather [hbm4b:s0+s2], $0x80, s4, s2, $0xb8;
	[tilespmem:$0x1DA00] =	vst v63  }
0x19: {  	s30 =	simm.s32 $0x180;
	s31 =	simm.s32 $0x4E00;
	s29 =	simm.s32 $0x0  }
0x1a: {  	[tilespmem:s31], [sflag:$0x1] =	stream.indirect.gather [hbm4b:s1+s30], $0x80, s15, s30, $0xb8;
	[tilespmem:$0x1DA00] =	vst v63  }
.LBB2_3:
0x1b: {  	s2 =	smov.u32 s29  }
0x1c: {  	s29 =	sadd.s32 $0x1, s29;
	p0 =	seq.s32 s2, $0x7  }
0x1d: {  	s3 =	sand.u32 @!p0 $0x1, s29;
	s17 =	sshll.u32 @!p0 s29, $0x6  }
0x1e: {  	s18 =	simm.s32 @!p0 $0x40;
	s19 =	smul.u32 @!p0 $0x600, s29;
	s16 =	sshll.u32 @!p0 s3, $0xD  }
0x1f: {  	s3 =	smul.u32 @!p0 $0x30000, s3;
	s17 =	sand.u32 @!p0 $0x3FFFFFC0, s17;
	s16 =	sor.u32 @!p0 $0xE00, s16  }
0x20: {  	[tilespmem:s16], [sflag:$0x1] =	stream.indirect.gather @!p0 [hbm4b:s0+s18], $0x80, s17, s18, $0xb8;
	[tilespmem:$0x1DA00] =	vst v63  }
0x21: {  	s3 =	sshrl.u32 @!p0 s3, $0x2  }
0x22: {  	s16 =	sshra.s32 @!p0 s19, $0x2;
	s17 =	simm.s32 @!p0 $0x180;
	s18 =	sand.u32 $0x1, s2  }
0x23: {  	s3 =	sadd.s32 @!p0 $0x4E00, s3;
	s16 =	sadd.s32 @!p0 $0x200, s16;
	s19 =	smul.u32 $0x30000, s18  }
0x24: {  	[tilespmem:s3], [sflag:$0x1] =	stream.indirect.gather @!p0 [hbm4b:s1+s17], $0x80, s16, s17, $0xb8;
	[tilespmem:$0x1DA00] =	vst v63  }
0x25: {  	s3 =	sshll.u32 s18, $0xD;
	_ =	swait.ge [sflag:s20], $0x2000  }
0x26: {  	s16 =	sshrl.u32 s19, $0x2;
	s3 =	sor.u32 $0xE00, s3;
	[sflag:s20] =	ssyncset.done $0x0  }
0x27: {  	s16 =	sadd.s32 $0x4E00, s16;
	v5 =	vmov s3;
	[sflag:s20] =	ssyncadd.s32 $0xFFFFE000  }
0x28: {  	v6 =	vmov s16;
	_ =	swait.ge [sflag:s20], $0xC000  }
0x29: {  	[sflag:s20] =	ssyncset.done $0x0  }
0x2a: {  	s31 =	simm.s32 $0x0;
	s30 =	sshll.u32 s2, $0x6;
	[sflag:s20] =	ssyncadd.s32 $0xFFFF4000  }
.LBB2_4:
0x2b: {  	s3 =	sshll.u32 s31, $0x7  }
0x2c: {  	v10 =	vld.idx.msk [tilespmem:v5+s3+$0x0 ss:$0x1], $0xffff  }
0x2d: {  	v11 =	vld.idx.msk [tilespmem:v6+s3+$0x0 ss:$0x1], $0xffff  }
0x2e: {  	v12 =	vld.idx.msk [tilespmem:v6+s3+$0x2000 ss:$0x1], $0xffff  }
0x2f: {  	v14 =	vld.idx.msk [tilespmem:v6+s3+$0x4000 ss:$0x1], $0xffff  }
0x30: {  	v18 =	vld.idx.msk [tilespmem:v6+s3+$0x6000 ss:$0x1], $0xffff  }
0x31: {  	v19 =	vld.idx.msk [tilespmem:v6+s3+$0x8000 ss:$0x1], $0xffff  }
0x32: {  	v35 =	vld.idx.msk [tilespmem:v6+s3+$0xA000 ss:$0x1], $0xffff  }
0x33: {  	v23 =	vld.idx.msk [tilespmem:v5+s3+$0x10 ss:$0x1], $0xffff  }
0x34: {  	v26 =	vld.idx.msk [tilespmem:v6+s3+$0x10 ss:$0x1], $0xffff  }
0x35: {  	v30 =	vld.idx.msk [tilespmem:v6+s3+$0x2010 ss:$0x1], $0xffff  }
0x36: {  	v31 =	vld.idx.msk [tilespmem:v6+s3+$0x4010 ss:$0x1], $0xffff  }
0x37: {  	v34 =	vld.idx.msk [tilespmem:v6+s3+$0x6010 ss:$0x1], $0xffff  }
0x38: {  	v36 =	vld.idx.msk [tilespmem:v6+s3+$0x8010 ss:$0x1], $0xffff  }
0x39: {  	v43 =	vld.idx.msk [tilespmem:v6+s3+$0xA010 ss:$0x1], $0xffff  }
0x3a: {  	v49 =	vld.idx.msk [tilespmem:v5+s3+$0x20 ss:$0x1], $0xffff  }
0x3b: {  	v46 =	vld.idx.msk [tilespmem:v6+s3+$0x20 ss:$0x1], $0xffff  }
0x3c: {  	v54 =	vld.idx.msk [tilespmem:v6+s3+$0x2020 ss:$0x1], $0xffff  }
0x3d: {  	v59 =	vld.idx.msk [tilespmem:v6+s3+$0x4020 ss:$0x1], $0xffff  }
0x3e: {  	v58 =	vld.idx.msk [tilespmem:v6+s3+$0x6020 ss:$0x1], $0xffff  }
0x3f: {  	v60 =	vld.idx.msk [tilespmem:v6+s3+$0x8020 ss:$0x1], $0xffff  }
0x40: {  	v39 =	vld.idx.msk [tilespmem:v6+s3+$0xA020 ss:$0x1], $0xffff  }
0x41: {  	v21 =	vld.idx.msk [tilespmem:v5+s3+$0x30 ss:$0x1], $0xffff  }
0x42: {  	v4 =	vld.idx.msk [tilespmem:v6+s3+$0x30 ss:$0x1], $0xffff  }
0x43: {  	v13 =	vld.idx.msk [tilespmem:v6+s3+$0x2030 ss:$0x1], $0xffff  }
0x44: {  	v15 =	vld.idx.msk [tilespmem:v6+s3+$0x4030 ss:$0x1], $0xffff  }
0x45: {  	v16 =	vld.idx.msk [tilespmem:v6+s3+$0x6030 ss:$0x1], $0xffff  }
0x46: {  	v20 =	vld.idx.msk [tilespmem:v6+s3+$0x8030 ss:$0x1], $0xffff  }
0x47: {  	v22 =	vld.idx.msk [tilespmem:v6+s3+$0xA030 ss:$0x1], $0xffff  }
0x48: {  	v0 =	vld.idx.msk [tilespmem:v5+s3+$0x40 ss:$0x1], $0xffff  }
0x49: {  	v25 =	vld.idx.msk [tilespmem:v6+s3+$0x40 ss:$0x1], $0xffff  }
0x4a: {  	v27 =	vld.idx.msk [tilespmem:v6+s3+$0x2040 ss:$0x1], $0xffff  }
0x4b: {  	v28 =	vld.idx.msk [tilespmem:v6+s3+$0x4040 ss:$0x1], $0xffff  }
0x4c: {  	v29 =	vld.idx.msk [tilespmem:v6+s3+$0x6040 ss:$0x1], $0xffff  }
0x4d: {  	v32 =	vld.idx.msk [tilespmem:v6+s3+$0x8040 ss:$0x1], $0xffff  }
0x4e: {  	v33 =	vld.idx.msk [tilespmem:v6+s3+$0xA040 ss:$0x1], $0xffff  }
0x4f: {  	v9 =	vld.idx.msk [tilespmem:v5+s3+$0x50 ss:$0x1], $0xffff  }
0x50: {  	v37 =	vld.idx.msk [tilespmem:v6+s3+$0x50 ss:$0x1], $0xffff  }
0x51: {  	v38 =	vld.idx.msk [tilespmem:v6+s3+$0x2050 ss:$0x1], $0xffff  }
0x52: {  	v56 =	vld.idx.msk [tilespmem:v6+s3+$0x4050 ss:$0x1], $0xffff  }
0x53: {  	v40 =	vld.idx.msk [tilespmem:v6+s3+$0x6050 ss:$0x1], $0xffff  }
0x54: {  	v41 =	vld.idx.msk [tilespmem:v6+s3+$0x8050 ss:$0x1], $0xffff  }
0x55: {  	v55 =	vld.idx.msk [tilespmem:v6+s3+$0xA050 ss:$0x1], $0xffff  }
0x56: {  	v7 =	vld.idx.msk [tilespmem:v5+s3+$0x60 ss:$0x1], $0xffff  }
0x57: {  	v42 =	vld.idx.msk [tilespmem:v6+s3+$0x60 ss:$0x1], $0xffff  }
0x58: {  	v48 =	vld.idx.msk [tilespmem:v6+s3+$0x2060 ss:$0x1], $0xffff  }
0x59: {  	v52 =	vld.idx.msk [tilespmem:v6+s3+$0x4060 ss:$0x1], $0xffff  }
0x5a: {  	v61 =	vld.idx.msk [tilespmem:v6+s3+$0x6060 ss:$0x1], $0xffff  }
0x5b: {  	v8 =	vld.idx.msk [tilespmem:v6+s3+$0x8060 ss:$0x1], $0xffff  }
0x5c: {  	s16 =	sor.u32 $0x1, s31;
	v44 =	vld.idx.msk [tilespmem:v6+s3+$0x70 ss:$0x1], $0xffff  }
0x5d: {  	v47 =	vld.idx.msk [tilespmem:v6+s3+$0x8070 ss:$0x1], $0xffff;
	s2 =	sshll.u32 s16, $0x7  }
0x5e: {  	v62 =	vld.idx.msk [tilespmem:v6+s2+$0x0 ss:$0x1], $0xffff  }
0x5f: {  	v51 =	vld.idx.msk [tilespmem:v6+s3+$0x2070 ss:$0x1], $0xffff  }
0x60: {  	v17 =	vld.idx.msk [tilespmem:v6+s3+$0x6070 ss:$0x1], $0xffff  }
0x61: {  	v63 =	vld.idx.msk [tilespmem:v6+s3+$0x2080 ss:$0x1], $0xffff  }
0x62: {  	[tilespmem:$0x1FBF0] =	vst v47;
	v47 =	vld.idx.msk [tilespmem:v6+s3+$0x8080 ss:$0x1], $0xffff  }
0x63: {  	[tilespmem:$0x1FC10] =	vst v62;
	v62 =	vld.idx.msk [tilespmem:v6+s3+$0xA080 ss:$0x1], $0xffff  }
0x64: {  	v50 =	vld.idx.msk [tilespmem:v6+s3+$0xA070 ss:$0x1], $0xffff;
	[tilespmem:$0x1FBC0] =	vst v8  }
0x65: {  	v24 =	vld.idx.msk [tilespmem:v6+s3+$0x4080 ss:$0x1], $0xffff;
	[tilespmem:$0x1FBE0] =	vst v17  }
0x66: {  	[tilespmem:$0x1FC20] =	vst v63;
	v63 =	vld.idx.msk [tilespmem:v6+s2+$0x10 ss:$0x1], $0xffff  }
0x67: {  	[tilespmem:$0x1FC60] =	vst v47;
	v47 =	vld.idx.msk [tilespmem:v6+s3+$0x4090 ss:$0x1], $0xffff  }
0x68: {  	[tilespmem:$0x1FC80] =	vst v62;
	v62 =	vld.idx.msk [tilespmem:v6+s3+$0x6090 ss:$0x1], $0xffff  }
0x69: {  	v45 =	vld.idx.msk [tilespmem:v6+s3+$0x6080 ss:$0x1], $0xffff;
	[tilespmem:$0x1FC00] =	vst v50  }
0x6a: {  	[tilespmem:$0x1FC30] =	vst v24;
	v24 =	vld.idx.msk [tilespmem:v6+s3+$0x2090 ss:$0x1], $0xffff  }
0x6b: {  	[tilespmem:$0x1FC50] =	vst v63;
	v63 =	vld.idx.msk [tilespmem:v6+s3+$0x8090 ss:$0x1], $0xffff  }
0x6c: {  	[tilespmem:$0x1FC90] =	vst v47;
	v47 =	vld.idx.msk [tilespmem:v6+s2+$0x20 ss:$0x1], $0xffff  }
0x6d: {  	[tilespmem:$0x1FCA0] =	vst v62;
	v62 =	vld.idx.msk [tilespmem:v6+s3+$0x20A0 ss:$0x1], $0xffff  }
0x6e: {  	v8 =	vld.idx.msk [tilespmem:v6+s3+$0xA060 ss:$0x1], $0xffff;
	[tilespmem:$0x1FC40] =	vst v45  }
0x6f: {  	[tilespmem:$0x1FC70] =	vst v24;
	v24 =	vld.idx.msk [tilespmem:v6+s3+$0xA090 ss:$0x1], $0xffff  }
0x70: {  	[tilespmem:$0x1FCB0] =	vst v63;
	v63 =	vld.idx.msk [tilespmem:v6+s3+$0x40A0 ss:$0x1], $0xffff  }
0x71: {  	[tilespmem:$0x1FCD0] =	vst v47;
	v47 =	vld.idx.msk [tilespmem:v6+s3+$0x60A0 ss:$0x1], $0xffff  }
0x72: {  	[tilespmem:$0x1FCE0] =	vst v62;
	v62 =	vld.idx.msk [tilespmem:v6+s3+$0x80A0 ss:$0x1], $0xffff  }
0x73: {  	v53 =	vld.idx.msk [tilespmem:v6+s3+$0x4070 ss:$0x1], $0xffff;
	[tilespmem:$0x1FBD0] =	vst v8  }
0x74: {  	v50 =	vld.idx.msk [tilespmem:v5+s2+$0x0 ss:$0x1], $0xffff;
	[tilespmem:$0x1FCC0] =	vst v24  }
0x75: {  	v45 =	vld.idx.msk [tilespmem:v5+s2+$0x10 ss:$0x1], $0xffff;
	[tilespmem:$0x1FCF0] =	vst v63  }
0x76: {  	v8 =	vld.idx.msk [tilespmem:v5+s3+$0x70 ss:$0x1], $0xffff;
	[tilespmem:$0x1FD00] =	vst v47  }
0x77: {  	v24 =	vld.idx.msk [tilespmem:v5+s2+$0x20 ss:$0x1], $0xffff;
	[tilespmem:$0x1FD10] =	vst v62  }
0x78: {  	v17 =	vld.idx.msk [tilespmem:v6+s3+$0xA0A0 ss:$0x1], $0xffff  }
0x79: {  	v63 =	vld.idx.msk [tilespmem:v6+s3+$0x20B0 ss:$0x1], $0xffff;
	_ =	sdelay $0x3  }
0x7a: {  	v62 =	vld.idx.msk [tilespmem:v6+s3+$0x40B0 ss:$0x1], $0xffff  }
0x7b: {  	v12 =	vmul.f32 v12, v10;
	[tilespmem:$0x1FD40] =	vst v63;
	v63 =	vld.idx.msk [tilespmem:v6+s3+$0x60B0 ss:$0x1], $0xffff  }
0x7c: {  	v14 =	vmul.f32 v14, v10;
	v18 =	vmul.f32 v18, v10  }
0x7d: {  	v19 =	vmul.f32 v19, v10;
	v26 =	vmul.f32 v26, v23;
	v47 =	vld.idx.msk [tilespmem:v6+s2+$0x30 ss:$0x1], $0xffff  }
0x7e: {  	v30 =	vmul.f32 v30, v23;
	v31 =	vmul.f32 v31, v23  }
0x7f: {  	v4 =	vmul.f32 v4, v21;
	v13 =	vmul.f32 v13, v21;
	[tilespmem:$0x1FD50] =	vst v62;
	v62 =	vld.idx.msk [tilespmem:v6+s3+$0x80B0 ss:$0x1], $0xffff  }
0x80: {  	v15 =	vmul.f32 v15, v21;
	v16 =	vmul.f32 v16, v21;
	[tilespmem:$0x1FD60] =	vst v63;
	v63 =	vld.idx.msk [tilespmem:v6+s3+$0xA0B0 ss:$0x1], $0xffff  }
0x81: {  	v20 =	vmul.f32 v20, v21;
	v28 =	vmul.f32 v28, v0  }
0x82: {  	v29 =	vmul.f32 v29, v0;
	[tilespmem:$0x1FD30] =	vst v47;
	v47 =	vmul.f32 v11, v10  }
0x83: {  	v42 =	vmul.f32 v42, v7;
	v14 =	vadd.f32 v31, v14;
	v31 =	vmul.f32 v54, v49  }
0x84: {  	v26 =	vadd.f32 v26, v47;
	v47 =	vmul.f32 v34, v23;
	[tilespmem:$0x1FD70] =	vst v62;
	v62 =	vmul.f32 v36, v23  }
0x85: {  	v12 =	vadd.f32 v30, v12;
	v23 =	vmul.f32 v43, v23;
	[tilespmem:$0x1FD80] =	vst v63;
	v63 =	vmul.f32 v35, v10  }
0x86: {  	v54 =	vmul.f32 v58, v49;
	v19 =	vadd.f32 v62, v19;
	v62 =	vmul.f32 v46, v49  }
0x87: {  	v12 =	vadd.f32 v31, v12;
	v23 =	vadd.f32 v23, v63;
	v63 =	vmul.f32 v59, v49  }
0x88: {  	v30 =	vadd.f32 v47, v18;
	v26 =	vadd.f32 v62, v26;
	v62 =	vmul.f32 v60, v49  }
0x89: {  	v13 =	vadd.f32 v13, v12;
	v14 =	vadd.f32 v63, v14;
	v63 =	vmul.f32 v39, v49  }
0x8a: {  	v12 =	vld.idx.msk [tilespmem:v6+s2+$0x60 ss:$0x1], $0xffff;
	v30 =	vadd.f32 v54, v30;
	v19 =	vadd.f32 v62, v19;
	v49 =	vmul.f32 v25, v0  }
0x8b: {  	[tilespmem:$0x1FD20] =	vst v17;
	v23 =	vadd.f32 v63, v23;
	v14 =	vadd.f32 v15, v14;
	v63 =	vmul.f32 v27, v0  }
0x8c: {  	v17 =	vld.idx.msk [tilespmem:v5+s2+$0x30 ss:$0x1], $0xffff;
	v15 =	vadd.f32 v16, v30;
	v30 =	vmul.f32 v32, v0;
	v0 =	vmul.f32 v33, v0  }
0x8d: {  	v11 =	vld.idx.msk [tilespmem:v5+s2+$0x40 ss:$0x1], $0xffff;
	v47 =	vadd.f32 v20, v19;
	v32 =	vmul.f32 v37, v9;
	v33 =	vmul.f32 v38, v9  }
0x8e: {  	v18 =	vld.idx.msk [tilespmem:v5+s2+$0x50 ss:$0x1], $0xffff;
	v4 =	vadd.f32 v4, v26;
	v37 =	vmul.f32 v56, v9;
	v38 =	vmul.f32 v40, v9  }
0x8f: {  	v35 =	vld.idx.msk [tilespmem:v6+s2+$0x40 ss:$0x1], $0xffff;
	v15 =	vadd.f32 v29, v15;
	v16 =	vadd.f32 v30, v47;
	v47 =	vmul.f32 v48, v7  }
0x90: {  	v14 =	vadd.f32 v28, v14;
	v48 =	vmul.f32 v52, v7;
	v52 =	vmul.f32 v44, v8;
	v44 =	vld [tilespmem:$0x1FBD0]  }
0x91: {  	v26 =	vmul.f32 v22, v21;
	v4 =	vadd.f32 v49, v4;
	v15 =	vadd.f32 v38, v15;
	v38 =	vld [tilespmem:$0x1FBC0]  }
0x92: {  	v21 =	vld.idx.msk [tilespmem:v5+s2+$0x60 ss:$0x1], $0xffff;
	v40 =	vmul.f32 v41, v9;
	v13 =	vadd.f32 v63, v13;
	v41 =	vadd.f32 v37, v14  }
0x93: {  	v59 =	vld.idx.msk [tilespmem:v6+s2+$0x50 ss:$0x1], $0xffff;
	v62 =	vadd.f32 v26, v23;
	v4 =	vadd.f32 v32, v4;
	v63 =	vmul.f32 v61, v7  }
0x94: {  	v13 =	vadd.f32 v33, v13;
	v20 =	vadd.f32 v48, v41;
	v48 =	vld [tilespmem:$0x1FBF0]  }
0x95: {  	v56 =	vmul.f32 v55, v9;
	v25 =	vadd.f32 v42, v4;
	v27 =	vadd.f32 v63, v15;
	v63 =	vld [tilespmem:$0x1FC00]  }
0x96: {  	v0 =	vadd.f32 v0, v62;
	v32 =	vmul.f32 v44, v7;
	v28 =	vmul.f32 v38, v7;
	v7 =	vld [tilespmem:$0x1FBE0]  }
0x97: {  	v49 =	vld.idx.msk [tilespmem:v5+s2+$0x70 ss:$0x1], $0xffff;
	v62 =	vmul.f32 v51, v8;
	v22 =	vadd.f32 v47, v13;
	v25 =	vadd.f32 v52, v25  }
0x98: {  	v16 =	vadd.f32 v40, v16;
	v4 =	vld.idx.msk [tilespmem:v6+s2+$0x70 ss:$0x1], $0xffff;
	s2 =	sor.u32 $0x2, s31;
	v0 =	vadd.f32 v56, v0  }
0x99: {  	v40 =	vmul.f32 v53, v8;
	s17 =	sshll.u32 s2, $0x7;
	v22 =	vadd.f32 v62, v22;
	v41 =	vperm.xlane v25, v57  }
0x9a: {  	v52 =	vld.idx.msk [tilespmem:v6+s17+$0x0 ss:$0x1], $0xffff;
	v0 =	vadd.f32 v32, v0;
	v16 =	vadd.f32 v28, v16;
	v28 =	vmul.f32 v48, v8  }
0x9b: {  	v25 =	vadd.f32 v41, v25;
	v47 =	vmul.f32 v7, v8;
	v8 =	vmul.f32 v63, v8  }
0x9c: {  	v42 =	vperm.xlane v22, v57  }
0x9d: {  	v53 =	vperm.xlane v25, v1;
	v0 =	vadd.f32 v8, v0  }
0x9e: {  	v22 =	vadd.f32 v42, v22  }
0x9f: {  	[tilespmem:$0x1FD90] =	vst v52;
	v25 =	vadd.f32 v53, v25;
	v52 =	vperm.xlane v0, v57  }
0xa0: {  	v61 =	vperm.xlane v22, v1  }
0xa1: {  	v27 =	vadd.f32 v47, v27;
	v47 =	vperm.xlane v25, v2;
	v0 =	vadd.f32 v52, v0  }
0xa2: {  	v22 =	vadd.f32 v61, v22  }
0xa3: {  	v25 =	vadd.f32 v47, v25;
	v47 =	vperm.xlane v0, v1  }
0xa4: {  	v48 =	vperm.xlane v22, v2  }
0xa5: {  	v20 =	vadd.f32 v40, v20;
	v38 =	vperm.xlane v27, v57;
	v0 =	vadd.f32 v47, v0  }
0xa6: {  	v22 =	vadd.f32 v48, v22;
	v48 =	vld.idx.msk [tilespmem:v6+s3+$0x8110 ss:$0x1], $0xffff  }
0xa7: {  	v51 =	vperm.xlane v20, v57;
	v27 =	vadd.f32 v38, v27;
	v38 =	vld.idx.msk [tilespmem:v6+s3+$0x4110 ss:$0x1], $0xffff;
	v32 =	vperm.xlane v0, v2;
	_ =	sdelay $0x1  }
0xa8: {  	v20 =	vadd.f32 v51, v20;
	v0 =	vadd.f32 v32, v0  }
0xa9: {  	v55 =	vld.idx.msk [tilespmem:v6+s3+$0x2100 ss:$0x1], $0xffff  }
0xaa: {  	v41 =	vperm.xlane v20, v1;
	[tilespmem:$0x1FE30] =	vst v48;
	v48 =	vperm.xlane v0, v3  }
0xab: {  	[tilespmem:$0x1FE10] =	vst v38;
	v38 =	vld.idx.msk [tilespmem:v6+s3+$0x4120 ss:$0x1], $0xffff  }
0xac: {  	v20 =	vadd.f32 v41, v20;
	v29 =	vadd.f32 v48, v0;
	v0 =	vld [tilespmem:$0x1FC60];
	_ =	sdelay $0x1  }
0xad: {  	[tilespmem:$0x1FDA0] =	vst v55;
	v55 =	vperm.xlane v20, v2;
	_ =	sdelay $0x1  }
0xae: {  	v16 =	vadd.f32 v28, v16;
	v20 =	vadd.f32 v55, v20;
	v55 =	vld.idx.msk [tilespmem:v6+s17+$0x20 ss:$0x1], $0xffff  }
0xaf: {  	[tilespmem:$0x1FE70] =	vst v38;
	v38 =	vmul.f32 v0, v50;
	v0 =	vld [tilespmem:$0x1FC70]  }
0xb0: {  	v42 =	vperm.xlane v16, v57  }
0xb1: {  	v40 =	vld.idx.msk [tilespmem:v6+s3+$0x6100 ss:$0x1], $0xffff;
	v41 =	vperm.xlane v22, v3  }
0xb2: {  	v53 =	vld.idx.msk [tilespmem:v6+s17+$0x10 ss:$0x1], $0xffff;
	v16 =	vadd.f32 v42, v16  }
0xb3: {  	v22 =	vadd.f32 v41, v22;
	v41 =	vld.idx.msk [tilespmem:v6+s3+$0x6120 ss:$0x1], $0xffff  }
0xb4: {  	v61 =	vperm.xlane v16, v1;
	[tilespmem:$0x1FE50] =	vst v55;
	v55 =	vmul.f32 v0, v45;
	v0 =	vld [tilespmem:$0x1FC80]  }
0xb5: {  	v44 =	vld.idx.msk [tilespmem:v6+s3+$0x8100 ss:$0x1], $0xffff  }
0xb6: {  	[tilespmem:$0x1FDC0] =	vst v40;
	v40 =	vadd.f32 v61, v16;
	v51 =	vperm.xlane v27, v1  }
0xb7: {  	[tilespmem:$0x1FDF0] =	vst v53  }
0xb8: {  	v53 =	vld.idx.msk [tilespmem:v6+s3+$0xA110 ss:$0x1], $0xffff;
	v63 =	vperm.xlane v25, v3;
	v52 =	vperm.xlane v40, v2;
	v27 =	vadd.f32 v51, v27  }
0xb9: {  	[tilespmem:$0x1FE80] =	vst v41;
	v41 =	vmul.f32 v0, v50;
	v0 =	vld [tilespmem:$0x1FC90]  }
0xba: {  	[tilespmem:$0x1FDD0] =	vst v44;
	v25 =	vadd.f32 v63, v25;
	v28 =	vadd.f32 v52, v40;
	v44 =	vperm.xlane v27, v2;
	_ =	sdelay $0x1  }
0xbb: {  	v25 =	vnsel vm0, $0x0, v25;
	v63 =	vperm.xlane v28, v3;
	v27 =	vadd.f32 v44, v27  }
0xbc: {  	v51 =	vperm.xlane v20, v3;
	[tilespmem:$0x1FE40] =	vst v53;
	v53 =	vld [tilespmem:$0x1FC50];
	v22 =	vsel vm1, v25, v22  }
0xbd: {  	v25 =	vadd.f32 v63, v28;
	v61 =	vperm.xlane v27, v3;
	v63 =	vmul.f32 v0, v45;
	v0 =	vld [tilespmem:$0x1FCA0]  }
0xbe: {  	v20 =	vadd.f32 v51, v20  }
0xbf: {  	v42 =	vld.idx.msk [tilespmem:v6+s3+$0x6110 ss:$0x1], $0xffff;
	v40 =	vadd.f32 v61, v27  }
0xc0: {  	v20 =	vsel vm2, v22, v20;
	v44 =	vld [tilespmem:$0x1FC20]  }
0xc1: {  	v62 =	vld.idx.msk [tilespmem:v6+s3+$0x4100 ss:$0x1], $0xffff;
	v20 =	vsel vm3, v20, v40  }
0xc2: {  	v27 =	vsel vm4, v20, v25;
	v25 =	vmul.f32 v53, v45;
	v53 =	vmul.f32 v0, v45;
	v0 =	vld [tilespmem:$0x1FCB0];
	_ =	sdelay $0x2  }
0xc3: {  	[tilespmem:$0x1FE20] =	vst v42;
	v42 =	vld [tilespmem:$0x1FC10];
	v33 =	vmul.f32 v44, v50  }
0xc4: {  	[tilespmem:$0x1FDB0] =	vst v62;
	v62 =	vld.idx.msk [tilespmem:v6+s3+$0x2110 ss:$0x1], $0xffff  }
0xc5: {  	v40 =	vadd.f32 v55, v33;
	v55 =	vmul.f32 v0, v45;
	v0 =	vld [tilespmem:$0x1FCC0];
	_ =	sdelay $0x2  }
0xc6: {  	v32 =	vmul.f32 v42, v50  }
0xc7: {  	[tilespmem:$0x1FE00] =	vst v62;
	v62 =	vld.idx.msk [tilespmem:v6+s3+$0x2120 ss:$0x1], $0xffff  }
0xc8: {  	v25 =	vadd.f32 v25, v32;
	v32 =	vmul.f32 v0, v45;
	v0 =	vld [tilespmem:$0x1FCD0];
	_ =	sdelay $0x2  }
0xc9: {  	v47 =	vld [tilespmem:$0x1FC30];
	_ =	sdelay $0x1  }
0xca: {  	[tilespmem:$0x1FE60] =	vst v62;
	v62 =	vmul.f32 v0, v24;
	v0 =	vld [tilespmem:$0x1FCE0];
	_ =	sdelay $0x2  }
0xcb: {  	v22 =	vmul.f32 v47, v50;
	_ =	sdelay $0x1  }
0xcc: {  	v22 =	vadd.f32 v63, v22;
	v63 =	vmul.f32 v0, v24;
	v0 =	vld [tilespmem:$0x1FCF0];
	_ =	sdelay $0x4  }
0xcd: {  	v25 =	vadd.f32 v62, v25;
	v62 =	vmul.f32 v0, v24;
	v0 =	vld [tilespmem:$0x1FD00];
	_ =	sdelay $0x1  }
0xce: {  	v58 =	vld.idx.msk [tilespmem:v6+s3+$0x20D0 ss:$0x1], $0xffff  }
0xcf: {  	v51 =	vld [tilespmem:$0x1FC40]  }
0xd0: {  	v31 =	vld.idx.msk [tilespmem:v6+s3+$0x80D0 ss:$0x1], $0xffff  }
0xd1: {  	v42 =	vmul.f32 v0, v24;
	v0 =	vld [tilespmem:$0x1FD10]  }
0xd2: {  	v34 =	vld.idx.msk [tilespmem:v6+s3+$0x40C0 ss:$0x1], $0xffff  }
0xd3: {  	v36 =	vld.idx.msk [tilespmem:v6+s3+$0x60C0 ss:$0x1], $0xffff  }
0xd4: {  	v43 =	vld.idx.msk [tilespmem:v6+s3+$0x80C0 ss:$0x1], $0xffff;
	v20 =	vmul.f32 v51, v50  }
0xd5: {  	v54 =	vld.idx.msk [tilespmem:v6+s3+$0x40D0 ss:$0x1], $0xffff  }
0xd6: {  	v20 =	vadd.f32 v53, v20;
	v53 =	vmul.f32 v0, v24;
	v0 =	vld [tilespmem:$0x1FD20]  }
0xd7: {  	v46 =	vld.idx.msk [tilespmem:v6+s3+$0xA0C0 ss:$0x1], $0xffff  }
0xd8: {  	v60 =	vld.idx.msk [tilespmem:v6+s3+$0x60D0 ss:$0x1], $0xffff  }
0xd9: {  	v10 =	vld.idx.msk [tilespmem:v6+s3+$0x20C0 ss:$0x1], $0xffff  }
0xda: {  	v19 =	vld.idx.msk [tilespmem:v6+s3+$0x60E0 ss:$0x1], $0xffff  }
0xdb: {  	v24 =	vmul.f32 v0, v24;
	v0 =	vld [tilespmem:$0x1FD30]  }
0xdc: {  	v39 =	vld.idx.msk [tilespmem:v6+s3+$0xA0D0 ss:$0x1], $0xffff  }
0xdd: {  	v9 =	vld.idx.msk [tilespmem:v6+s3+$0x20F0 ss:$0x1], $0xffff  }
0xde: {  	v26 =	vld.idx.msk [tilespmem:v6+s3+$0x20E0 ss:$0x1], $0xffff  }
0xdf: {  	v23 =	vld.idx.msk [tilespmem:v6+s3+$0x40E0 ss:$0x1], $0xffff  }
0xe0: {  	v22 =	vadd.f32 v62, v22;
	v62 =	vmul.f32 v0, v17;
	v0 =	vld [tilespmem:$0x1FD40]  }
0xe1: {  	v30 =	vld.idx.msk [tilespmem:v6+s3+$0x80E0 ss:$0x1], $0xffff  }
0xe2: {  	v14 =	vld.idx.msk [tilespmem:v6+s3+$0xA0E0 ss:$0x1], $0xffff  }
0xe3: {  	v37 =	vld.idx.msk [tilespmem:v6+s3+$0x60F0 ss:$0x1], $0xffff  }
0xe4: {  	v13 =	vld.idx.msk [tilespmem:v6+s3+$0x40F0 ss:$0x1], $0xffff  }
0xe5: {  	v40 =	vadd.f32 v63, v40;
	v63 =	vmul.f32 v0, v17;
	v0 =	vld [tilespmem:$0x1FD50]  }
0xe6: {  	v8 =	vld.idx.msk [tilespmem:v6+s3+$0xA100 ss:$0x1], $0xffff  }
0xe7: {  	v15 =	vld.idx.msk [tilespmem:v6+s3+$0x80F0 ss:$0x1], $0xffff  }
0xe8: {  	v56 =	vld.idx.msk [tilespmem:v6+s3+$0xA0F0 ss:$0x1], $0xffff;
	v47 =	vadd.f32 v32, v41  }
0xe9: {  	v7 =	vld.idx.msk [tilespmem:v5+s17+$0x0 ss:$0x1], $0xffff  }
0xea: {  	v47 =	vadd.f32 v24, v47;
	v24 =	vmul.f32 v0, v17;
	v0 =	vld [tilespmem:$0x1FD60]  }
0xeb: {  	[tilespmem:$0x1FDE0] =	vst v8;
	v8 =	vld.idx.msk [tilespmem:v5+s17+$0x10 ss:$0x1], $0xffff  }
0xec: {  	v16 =	vld.idx.msk [tilespmem:v5+s17+$0x20 ss:$0x1], $0xffff  }
0xed: {  	v52 =	vld.idx.msk [tilespmem:v6+s3+$0xA120 ss:$0x1], $0xffff  }
0xee: {  	v28 =	vld.idx.msk [tilespmem:v5+s17+$0x30 ss:$0x1], $0xffff  }
0xef: {  	v25 =	vadd.f32 v62, v25;
	v62 =	vmul.f32 v0, v17;
	v0 =	vld [tilespmem:$0x1FD70]  }
0xf0: {  	v61 =	vld.idx.msk [tilespmem:v6+s17+$0x30 ss:$0x1], $0xffff  }
0xf1: {  	v48 =	vld.idx.msk [tilespmem:v6+s3+$0xA130 ss:$0x1], $0xffff  }
0xf2: {  	v44 =	vld.idx.msk [tilespmem:v6+s3+$0x8120 ss:$0x1], $0xffff;
	v38 =	vadd.f32 v55, v38  }
0xf3: {  	v51 =	vld.idx.msk [tilespmem:v6+s3+$0x2130 ss:$0x1], $0xffff  }
0xf4: {  	v38 =	vadd.f32 v53, v38;
	v53 =	vmul.f32 v0, v17;
	v0 =	vld.idx.msk [tilespmem:v6+s3+$0x6140 ss:$0x1], $0xffff  }
0xf5: {  	v33 =	vld.idx.msk [tilespmem:v6+s3+$0x4130 ss:$0x1], $0xffff  }
0xf6: {  	v50 =	vld.idx.msk [tilespmem:v6+s17+$0x40 ss:$0x1], $0xffff  }
0xf7: {  	v55 =	vld.idx.msk [tilespmem:v6+s3+$0x8130 ss:$0x1], $0xffff  }
0xf8: {  	v45 =	vld.idx.msk [tilespmem:v6+s3+$0x6130 ss:$0x1], $0xffff  }
0xf9: {  	v34 =	vmul.f32 v34, v11;
	[tilespmem:$0x1FE90] =	vst v0;
	v0 =	vld [tilespmem:$0x1FD80]  }
0xfa: {  	v31 =	vmul.f32 v31, v18;
	v36 =	vmul.f32 v36, v11;
	v41 =	vld.idx.msk [tilespmem:v5+s17+$0x40 ss:$0x1], $0xffff  }
0xfb: {  	v10 =	vmul.f32 v10, v11;
	v12 =	vmul.f32 v12, v21;
	v32 =	vld.idx.msk [tilespmem:v6+s3+$0x2140 ss:$0x1], $0xffff;
	v40 =	vadd.f32 v63, v40  }
0xfc: {  	v19 =	vmul.f32 v19, v21;
	v9 =	vmul.f32 v9, v49;
	v20 =	vadd.f32 v42, v20;
	v42 =	vld.idx.msk [tilespmem:v6+s3+$0x4140 ss:$0x1], $0xffff  }
0xfd: {  	v63 =	vmul.f32 v59, v18;
	v59 =	vld.idx.msk [tilespmem:v6+s3+$0x6150 ss:$0x1], $0xffff;
	v10 =	vadd.f32 v10, v40;
	v40 =	vmul.f32 v23, v21  }
0xfe: {  	v23 =	vld.idx.msk [tilespmem:v6+s3+$0x8160 ss:$0x1], $0xffff;
	v22 =	vadd.f32 v24, v22;
	v17 =	vmul.f32 v0, v17;
	v0 =	vmul.f32 v35, v11  }
0xff: {  	v24 =	vld.idx.msk [tilespmem:v6+s3+$0xA140 ss:$0x1], $0xffff;
	v20 =	vadd.f32 v62, v20;
	v62 =	vmul.f32 v43, v11;
	v38 =	vadd.f32 v53, v38  }
0x100: {  	v4 =	vmul.f32 v4, v49;
	v22 =	vadd.f32 v34, v22;
	v34 =	vld.idx.msk [tilespmem:v5+s17+$0x70 ss:$0x1], $0xffff;
	v0 =	vadd.f32 v0, v25  }
0x101: {  	v43 =	vmul.f32 v58, v18;
	v58 =	vld.idx.msk [tilespmem:v6+s3+$0x6160 ss:$0x1], $0xffff;
	v20 =	vadd.f32 v36, v20;
	v38 =	vadd.f32 v62, v38  }
0x102: {  	v36 =	vld.idx.msk [tilespmem:v6+s3+$0xA150 ss:$0x1], $0xffff;
	v11 =	vmul.f32 v46, v11;
	v17 =	vadd.f32 v17, v47;
	v0 =	vadd.f32 v63, v0  }
0x103: {  	v10 =	vadd.f32 v43, v10;
	v53 =	vld.idx.msk [tilespmem:v6+s17+$0x50 ss:$0x1], $0xffff;
	v62 =	vmul.f32 v54, v18;
	v31 =	vadd.f32 v31, v38  }
0x104: {  	v13 =	vmul.f32 v13, v49;
	v54 =	vld.idx.msk [tilespmem:v6+s3+$0x8150 ss:$0x1], $0xffff;
	v11 =	vadd.f32 v11, v17;
	v0 =	vadd.f32 v12, v0  }
0x105: {  	v35 =	vld.idx.msk [tilespmem:v6+s3+$0x8140 ss:$0x1], $0xffff;
	v63 =	vmul.f32 v60, v18;
	v17 =	vadd.f32 v62, v22;
	v18 =	vmul.f32 v39, v18  }
0x106: {  	v46 =	vld.idx.msk [tilespmem:v6+s3+$0x2150 ss:$0x1], $0xffff;
	v62 =	vmul.f32 v30, v21;
	v0 =	vadd.f32 v4, v0;
	v4 =	vmul.f32 v26, v21  }
0x107: {  	v25 =	vld.idx.msk [tilespmem:v5+s17+$0x50 ss:$0x1], $0xffff;
	v30 =	vmul.f32 v37, v49;
	v20 =	vadd.f32 v63, v20;
	v17 =	vadd.f32 v40, v17  }
0x108: {  	v47 =	vld.idx.msk [tilespmem:v6+s3+$0x4150 ss:$0x1], $0xffff;
	v11 =	vadd.f32 v18, v11;
	v4 =	vadd.f32 v4, v10;
	v43 =	vperm.xlane v0, v57  }
0x109: {  	v39 =	vld.idx.msk [tilespmem:v6+s17+$0x60 ss:$0x1], $0xffff;
	v63 =	vmul.f32 v14, v21;
	v60 =	vadd.f32 v19, v20;
	v17 =	vadd.f32 v13, v17  }
0x10a: {  	v15 =	vmul.f32 v15, v49;
	v22 =	vld.idx.msk [tilespmem:v6+s3+$0x4160 ss:$0x1], $0xffff;
	v4 =	vadd.f32 v9, v4;
	v0 =	vadd.f32 v43, v0  }
0x10b: {  	v12 =	vld.idx.msk [tilespmem:v5+s17+$0x60 ss:$0x1], $0xffff;
	v11 =	vadd.f32 v63, v11;
	v40 =	vadd.f32 v30, v60;
	v60 =	vmul.f32 v56, v49  }
0x10c: {  	v14 =	vld.idx.msk [tilespmem:v6+s3+$0xA160 ss:$0x1], $0xffff;
	v37 =	vperm.xlane v0, v1;
	v38 =	vperm.xlane v4, v57  }
0x10d: {  	v18 =	vld.idx.msk [tilespmem:v6+s3+$0x4170 ss:$0x1], $0xffff;
	v9 =	vadd.f32 v62, v31;
	v43 =	vperm.xlane v17, v57;
	v19 =	vadd.f32 v60, v11  }
0x10e: {  	v26 =	vld.idx.msk [tilespmem:v6+s3+$0x2160 ss:$0x1], $0xffff;
	v62 =	vperm.xlane v40, v57;
	v0 =	vadd.f32 v37, v0;
	v4 =	vadd.f32 v38, v4  }
0x10f: {  	v13 =	vld.idx.msk [tilespmem:v6+s17+$0x70 ss:$0x1], $0xffff;
	v17 =	vadd.f32 v43, v17;
	v9 =	vadd.f32 v15, v9  }
0x110: {  	v30 =	vadd.f32 v62, v40;
	v40 =	vld [tilespmem:$0x1FFF0];
	v63 =	vperm.xlane v0, v2;
	v37 =	vperm.xlane v4, v1  }
0x111: {  	v27 =	vsel vm5, v27, v29;
	v21 =	vld.idx.msk [tilespmem:v6+s3+$0x6170 ss:$0x1], $0xffff;
	v49 =	vperm.xlane v19, v57;
	v29 =	vperm.xlane v9, v57  }
0x112: {  	v38 =	vperm.xlane v17, v1;
	v0 =	vadd.f32 v63, v0;
	v4 =	vadd.f32 v37, v4;
	v63 =	vld.idx.msk [tilespmem:v6+s3+$0x2180 ss:$0x1], $0xffff  }
0x113: {  	v19 =	vadd.f32 v49, v19;
	v49 =	vld.idx.msk [tilespmem:v6+s3+$0x6180 ss:$0x1], $0xffff;
	v9 =	vadd.f32 v29, v9  }
0x114: {  	s19 =	sor.u32 s30, s31;
	v20 =	vld.idx.msk [tilespmem:v6+s3+$0x8170 ss:$0x1], $0xffff;
	v15 =	vadd.f32 v38, v17;
	v17 =	vperm.xlane v30, v1;
	v43 =	vperm.xlane v4, v2  }
0x115: {  	v10 =	vld.idx.msk [tilespmem:v6+s3+$0x2170 ss:$0x1], $0xffff;
	v31 =	vor.u32 s19, v40;
	v37 =	vperm.xlane v9, v1  }
0x116: {  	v17 =	vadd.f32 v17, v30;
	v62 =	vperm.xlane v0, v3;
	v4 =	vadd.f32 v43, v4;
	v43 =	vld.idx.msk [tilespmem:v6+s3+$0x4180 ss:$0x1], $0xffff  }
0x117: {  	v40 =	vperm.xlane v15, v2;
	v9 =	vadd.f32 v37, v9;
	[tilespmem:$0x1FEA0] =	vst v63;
	v63 =	vld.idx.msk [tilespmem:v6+s3+$0x8180 ss:$0x1], $0xffff  }
0x118: {  	v38 =	vld [tilespmem:$0x1FDA0];
	[tilespmem:$0x1FEC0] =	vst v49;
	v29 =	vperm.xlane v17, v2;
	v0 =	vadd.f32 v62, v0;
	v62 =	vperm.xlane v19, v1  }
0x119: {  	v49 =	vld.idx.msk [tilespmem:v6+s3+$0xA180 ss:$0x1], $0xffff;
	v15 =	vadd.f32 v40, v15;
	v40 =	vperm.xlane v9, v2;
	v30 =	vperm.xlane v4, v3  }
0x11a: {  	s17 =	sor.u32 $0x3, s31;
	v37 =	vld.idx.msk [tilespmem:v6+s3+$0x4190 ss:$0x1], $0xffff;
	[tilespmem:v31+s21+$0x0] =	vst.idx.msk $0x3f, v27;
	v27 =	vadd.f32 v29, v17;
	v19 =	vadd.f32 v62, v19  }
0x11b: {  	s18 =	sshll.u32 s17, $0x7;
	v62 =	vperm.xlane v15, v3;
	v9 =	vadd.f32 v40, v9;
	v40 =	vld [tilespmem:$0x1FDB0];
	v4 =	vadd.f32 v30, v4;
	[tilespmem:$0x1FEB0] =	vst v43  }
0x11c: {  	v0 =	vnsel vm0, $0x0, v0;
	v43 =	vld.idx.msk [tilespmem:v6+s18+$0x10 ss:$0x1], $0xffff;
	[tilespmem:$0x1FED0] =	vst v63;
	v63 =	vperm.xlane v27, v3  }
0x11d: {  	v0 =	vsel vm1, v0, v4;
	v4 =	vadd.f32 v62, v15;
	v62 =	vld.idx.msk [tilespmem:v6+s3+$0x2190 ss:$0x1], $0xffff  }
0x11e: {  	[tilespmem:$0x1FF10] =	vst v49;
	v49 =	vperm.xlane v19, v2;
	v27 =	vadd.f32 v63, v27;
	v63 =	vld [tilespmem:$0x1FD90]  }
0x11f: {  	v30 =	vmul.f32 v38, v7;
	v38 =	vld [tilespmem:$0x1FDE0]  }
0x120: {  	v15 =	vadd.f32 v49, v19;
	v49 =	vld.idx.msk [tilespmem:v6+s3+$0x8190 ss:$0x1], $0xffff  }
0x121: {  	v0 =	vsel vm2, v0, v4;
	v4 =	vld [tilespmem:$0x1FDC0]  }
0x122: {  	[tilespmem:$0x1FEE0] =	vst v43;
	v43 =	vld.idx.msk [tilespmem:v6+s3+$0x6190 ss:$0x1], $0xffff  }
0x123: {  	[tilespmem:$0x1FEF0] =	vst v62;
	v62 =	vperm.xlane v15, v3;
	v29 =	vmul.f32 v63, v7;
	v63 =	vld.idx.msk [tilespmem:v6+s3+$0xA190 ss:$0x1], $0xffff  }
0x124: {  	v31 =	vmul.f32 v40, v7;
	v40 =	vsel vm3, v0, v27;
	v0 =	vld [tilespmem:$0x1FDD0]  }
0x125: {  	v19 =	vadd.f32 v62, v15;
	v62 =	vld [tilespmem:$0x1FE10]  }
0x126: {  	v56 =	vld.idx.msk [tilespmem:v6+s3+$0xA170 ss:$0x1], $0xffff;
	[tilespmem:$0x1FF00] =	vst v37  }
0x127: {  	[tilespmem:$0x1FF30] =	vst v49;
	v49 =	vld [tilespmem:$0x1FE00]  }
0x128: {  	[tilespmem:$0x1FF40] =	vst v63;
	v63 =	vld.idx.msk [tilespmem:v6+s18+$0x20 ss:$0x1], $0xffff  }
0x129: {  	v37 =	vmul.f32 v4, v7;
	[tilespmem:$0x1FF20] =	vst v43;
	v0 =	vmul.f32 v0, v7;
	v43 =	vld [tilespmem:$0x1FDF0]  }
0x12a: {  	v7 =	vmul.f32 v38, v7;
	v38 =	vmul.f32 v62, v8;
	v62 =	vld [tilespmem:$0x1FE30]  }
0x12b: {  	v11 =	vld.idx.msk [tilespmem:v5+s18+$0x0 ss:$0x1], $0xffff  }
0x12c: {  	v15 =	vmul.f32 v49, v8;
	v49 =	vld [tilespmem:$0x1FE20]  }
0x12d: {  	[tilespmem:$0x1FF50] =	vst v63;
	v63 =	vld.idx.msk [tilespmem:v6+s3+$0x21A0 ss:$0x1], $0xffff  }
0x12e: {  	v27 =	vmul.f32 v43, v8;
	v43 =	vld [tilespmem:$0x1FE40]  }
0x12f: {  	v60 =	vld.idx.msk [tilespmem:v6+s18+$0x0 ss:$0x1], $0xffff;
	v62 =	vmul.f32 v62, v8  }
0x130: {  	v17 =	vld.idx.msk [tilespmem:v5+s18+$0x10 ss:$0x1], $0xffff  }
0x131: {  	v61 =	vmul.f32 v61, v28;
	v44 =	vmul.f32 v44, v16;
	v0 =	vadd.f32 v62, v0;
	v62 =	vld [tilespmem:$0x1FE50]  }
0x132: {  	v33 =	vmul.f32 v33, v28;
	v4 =	vperm.xlane v9, v3;
	[tilespmem:$0x1FF60] =	vst v63;
	v63 =	vld [tilespmem:$0x1FE70]  }
0x133: {  	v49 =	vmul.f32 v49, v8;
	v8 =	vmul.f32 v43, v8;
	v43 =	vld.idx.msk [tilespmem:v6+s3+$0x81A0 ss:$0x1], $0xffff  }
0x134: {  	v55 =	vmul.f32 v55, v28;
	v32 =	vmul.f32 v32, v41;
	v4 =	vadd.f32 v4, v9;
	v9 =	vld.idx.msk [tilespmem:v5+s18+$0x20 ss:$0x1], $0xffff  }
0x135: {  	v42 =	vmul.f32 v42, v41;
	v24 =	vmul.f32 v24, v41;
	v7 =	vadd.f32 v8, v7;
	v8 =	vld [tilespmem:$0x1FE60]  }
0x136: {  	v15 =	vadd.f32 v15, v30;
	v30 =	vadd.f32 v38, v31;
	v38 =	vmul.f32 v48, v28;
	v48 =	vld.idx.msk [tilespmem:v6+s3+$0x61B0 ss:$0x1], $0xffff  }
0x137: {  	v31 =	vadd.f32 v49, v37;
	v37 =	vmul.f32 v62, v16;
	v62 =	vmul.f32 v63, v16;
	v63 =	vld [tilespmem:$0x1FE80]  }
0x138: {  	v35 =	vmul.f32 v35, v41;
	v29 =	vadd.f32 v27, v29;
	[tilespmem:$0x1FF70] =	vst v43;
	v43 =	vld.idx.msk [tilespmem:v6+s3+$0xA1A0 ss:$0x1], $0xffff  }
0x139: {  	v22 =	vmul.f32 v22, v12;
	v23 =	vmul.f32 v23, v12;
	v27 =	vld.idx.msk [tilespmem:v6+s3+$0x41A0 ss:$0x1], $0xffff  }
0x13a: {  	v26 =	vmul.f32 v26, v12;
	v49 =	vld.idx.msk [tilespmem:v6+s3+$0x61A0 ss:$0x1], $0xffff;
	v8 =	vmul.f32 v8, v16;
	v29 =	vadd.f32 v37, v29  }
0x13b: {  	v13 =	vmul.f32 v13, v34;
	v37 =	vmul.f32 v45, v28;
	v45 =	vld.idx.msk [tilespmem:v6+s3+$0x41B0 ss:$0x1], $0xffff;
	v30 =	vadd.f32 v62, v30  }
0x13c: {  	v8 =	vadd.f32 v8, v15;
	v15 =	vld.idx.msk [tilespmem:v5+s18+$0x30 ss:$0x1], $0xffff;
	v29 =	vadd.f32 v61, v29;
	v63 =	vmul.f32 v63, v16  }
0x13d: {  	[tilespmem:$0x1FF80] =	vst v43;
	v43 =	vld.idx.msk [tilespmem:v6+s3+$0x21B0 ss:$0x1], $0xffff;
	v30 =	vadd.f32 v33, v30;
	v16 =	vmul.f32 v52, v16  }
0x13e: {  	v52 =	vadd.f32 v44, v0;
	v0 =	vld [tilespmem:$0x1FE90];
	v31 =	vadd.f32 v63, v31;
	v63 =	vmul.f32 v51, v28  }
0x13f: {  	v44 =	vld.idx.msk [tilespmem:v6+s18+$0x30 ss:$0x1], $0xffff;
	v30 =	vadd.f32 v42, v30;
	v42 =	vmul.f32 v47, v25;
	v47 =	vmul.f32 v54, v25  }
0x140: {  	v54 =	vld.idx.msk [tilespmem:v6+s3+$0x61C0 ss:$0x1], $0xffff;
	v7 =	vadd.f32 v16, v7;
	v8 =	vadd.f32 v63, v8;
	v63 =	vmul.f32 v50, v41  }
0x141: {  	v20 =	vmul.f32 v20, v34;
	v62 =	vadd.f32 v55, v52;
	v51 =	vld.idx.msk [tilespmem:v6+s3+$0xA1B0 ss:$0x1], $0xffff;
	v61 =	vadd.f32 v37, v31  }
0x142: {  	v16 =	vld.idx.msk [tilespmem:v5+s18+$0x40 ss:$0x1], $0xffff;
	v7 =	vadd.f32 v38, v7;
	v38 =	vmul.f32 v53, v25;
	v29 =	vadd.f32 v63, v29  }
0x143: {  	v52 =	vld.idx.msk [tilespmem:v6+s18+$0x40 ss:$0x1], $0xffff;
	v37 =	vmul.f32 v0, v41;
	v41 =	vmul.f32 v46, v25;
	v8 =	vadd.f32 v32, v8  }
0x144: {  	v10 =	vmul.f32 v10, v34;
	v33 =	vmul.f32 v39, v12;
	v55 =	vld.idx.msk [tilespmem:v6+s3+$0x41C0 ss:$0x1], $0xffff;
	v29 =	vadd.f32 v38, v29  }
0x145: {  	v50 =	vld.idx.msk [tilespmem:v6+s3+$0x81B0 ss:$0x1], $0xffff;
	v31 =	vadd.f32 v35, v62;
	v46 =	vmul.f32 v59, v25;
	v8 =	vadd.f32 v41, v8  }
0x146: {  	v53 =	vld.idx.msk [tilespmem:v6+s3+$0x21C0 ss:$0x1], $0xffff;
	v59 =	vadd.f32 v42, v30;
	v25 =	vmul.f32 v36, v25;
	v29 =	vadd.f32 v33, v29  }
0x147: {  	v62 =	vld.idx.msk [tilespmem:v6+s3+$0x81C0 ss:$0x1], $0xffff;
	v36 =	vmul.f32 v58, v12;
	v7 =	vadd.f32 v24, v7;
	v8 =	vadd.f32 v26, v8  }
0x148: {  	v42 =	vld.idx.msk [tilespmem:v5+s18+$0x50 ss:$0x1], $0xffff;
	v22 =	vadd.f32 v22, v59;
	v38 =	vmul.f32 v18, v34;
	v13 =	vadd.f32 v13, v29  }
0x149: {  	v12 =	vmul.f32 v14, v12;
	v58 =	vld.idx.msk [tilespmem:v6+s3+$0xA1D0 ss:$0x1], $0xffff;
	v28 =	vadd.f32 v37, v61;
	v8 =	vadd.f32 v10, v8  }
0x14a: {  	v14 =	vld.idx.msk [tilespmem:v6+s3+$0x21E0 ss:$0x1], $0xffff;
	v31 =	vadd.f32 v47, v31;
	v10 =	vadd.f32 v38, v22;
	v61 =	vperm.xlane v13, v57  }
0x14b: {  	v63 =	vld.idx.msk [tilespmem:v6+s3+$0x41D0 ss:$0x1], $0xffff;
	v7 =	vadd.f32 v25, v7;
	v28 =	vadd.f32 v46, v28;
	v26 =	vperm.xlane v8, v57  }
0x14c: {  	v47 =	vld.idx.msk [tilespmem:v6+s3+$0x61D0 ss:$0x1], $0xffff;
	v23 =	vadd.f32 v23, v31;
	v29 =	vperm.xlane v10, v57;
	v13 =	vadd.f32 v61, v13  }
0x14d: {  	v24 =	vld.idx.msk [tilespmem:v6+s3+$0x61E0 ss:$0x1], $0xffff;
	v39 =	vadd.f32 v36, v28;
	v28 =	vmul.f32 v21, v34;
	v8 =	vadd.f32 v26, v8  }
0x14e: {  	v37 =	vld.idx.msk [tilespmem:v6+s18+$0x50 ss:$0x1], $0xffff;
	v7 =	vadd.f32 v12, v7;
	v10 =	vadd.f32 v29, v10;
	v32 =	vperm.xlane v13, v1  }
0x14f: {  	v41 =	vld.idx.msk [tilespmem:v6+s3+$0xA1C0 ss:$0x1], $0xffff;
	v20 =	vadd.f32 v20, v23;
	v30 =	vadd.f32 v28, v39;
	v22 =	vperm.xlane v8, v1  }
0x150: {  	v31 =	vld.idx.msk [tilespmem:v6+s3+$0x81D0 ss:$0x1], $0xffff;
	v34 =	vmul.f32 v56, v34;
	v36 =	vperm.xlane v10, v1;
	v18 =	vadd.f32 v32, v13  }
0x151: {  	v25 =	vld.idx.msk [tilespmem:v6+s18+$0x60 ss:$0x1], $0xffff;
	v38 =	vperm.xlane v20, v57;
	v35 =	vperm.xlane v30, v57;
	v8 =	vadd.f32 v22, v8  }
0x152: {  	v46 =	vld.idx.msk [tilespmem:v5+s18+$0x60 ss:$0x1], $0xffff;
	v21 =	vadd.f32 v34, v7;
	v10 =	vadd.f32 v36, v10;
	v7 =	vperm.xlane v18, v2  }
0x153: {  	v33 =	vld.idx.msk [tilespmem:v6+s3+$0x21D0 ss:$0x1], $0xffff;
	v20 =	vadd.f32 v38, v20;
	v12 =	vadd.f32 v35, v30;
	v39 =	vperm.xlane v8, v2  }
0x154: {  	v26 =	vld.idx.msk [tilespmem:v6+s3+$0xA1E0 ss:$0x1], $0xffff;
	v36 =	vperm.xlane v10, v2;
	v18 =	vadd.f32 v7, v18  }
0x155: {  	v61 =	vld.idx.msk [tilespmem:v5+s18+$0x70 ss:$0x1], $0xffff;
	v38 =	vperm.xlane v20, v1;
	v56 =	vperm.xlane v12, v1;
	v23 =	vadd.f32 v39, v8  }
0x156: {  	v59 =	vperm.xlane v21, v57;
	v30 =	vld.idx.msk [tilespmem:v6+s3+$0x81E0 ss:$0x1], $0xffff;
	v10 =	vadd.f32 v36, v10;
	v39 =	vperm.xlane v18, v3  }
0x157: {  	v29 =	vadd.f32 v38, v20;
	v20 =	vld.idx.msk [tilespmem:v6+s3+$0x41F0 ss:$0x1], $0xffff;
	v12 =	vadd.f32 v56, v12;
	v56 =	vperm.xlane v23, v3  }
0x158: {  	v21 =	vadd.f32 v59, v21;
	v38 =	vld [tilespmem:$0x1FEB0];
	v59 =	vperm.xlane v10, v3;
	v32 =	vadd.f32 v39, v18  }
0x159: {  	v13 =	vld.idx.msk [tilespmem:v6+s3+$0x41E0 ss:$0x1], $0xffff;
	v28 =	vadd.f32 v56, v23;
	v56 =	vperm.xlane v29, v2  }
0x15a: {  	v34 =	vperm.xlane v21, v1;
	v7 =	vld.idx.msk [tilespmem:v6+s18+$0x70 ss:$0x1], $0xffff;
	s18 =	sor.u32 $0x4, s31;
	v10 =	vadd.f32 v59, v10;
	v32 =	vnsel vm0, $0x0, v32  }
0x15b: {  	v22 =	vld.idx.msk [tilespmem:v6+s3+$0x61F0 ss:$0x1], $0xffff;
	s19 =	sshll.u32 s18, $0x7;
	v18 =	vperm.xlane v12, v2;
	v29 =	vadd.f32 v56, v29;
	v28 =	vsel vm1, v32, v28  }
0x15c: {  	v21 =	vadd.f32 v34, v21;
	v10 =	vsel vm2, v28, v10;
	v28 =	vmul.f32 v60, v11;
	v60 =	vld.idx.msk [tilespmem:v6+s19+$0x20 ss:$0x1], $0xffff  }
0x15d: {  	v8 =	vld.idx.msk [tilespmem:v6+s3+$0x21F0 ss:$0x1], $0xffff;
	v12 =	vadd.f32 v18, v12;
	v35 =	vperm.xlane v29, v3  }
0x15e: {  	v4 =	vsel vm4, v40, v4;
	v34 =	vperm.xlane v21, v2;
	v39 =	vld [tilespmem:$0x1FEC0]  }
0x15f: {  	v0 =	vsel vm5, v4, v19;
	v59 =	vperm.xlane v12, v3;
	v19 =	vadd.f32 v35, v29;
	v35 =	vld [tilespmem:$0x1FEE0]  }
0x160: {  	v21 =	vadd.f32 v34, v21;
	v36 =	vld.idx.msk [tilespmem:v5+s19+$0x0 ss:$0x1], $0xffff  }
0x161: {  	v12 =	vadd.f32 v59, v12;
	[tilespmem:$0x1FFA0] =	vst v60;
	v60 =	vld.idx.msk [tilespmem:v6+s19+$0x30 ss:$0x1], $0xffff  }
0x162: {  	[tilespmem:$0x1FFD0] =	vst v0;
	v0 =	vld.idx.msk [tilespmem:v6+s19+$0x10 ss:$0x1], $0xffff;
	v59 =	vperm.xlane v21, v3  }
0x163: {  	v56 =	vmul.f32 v38, v11;
	v10 =	vsel vm3, v10, v12;
	v12 =	vmul.f32 v39, v11;
	v39 =	vld [tilespmem:$0x1FEF0]  }
0x164: {  	v38 =	vsel vm4, v10, v19;
	v19 =	vmul.f32 v35, v17;
	v35 =	vadd.f32 v59, v21;
	v59 =	vld [tilespmem:$0x1FF00]  }
0x165: {  	v40 =	vld.idx.msk [tilespmem:v6+s19+$0x0 ss:$0x1], $0xffff  }
0x166: {  	[tilespmem:$0x1FFB0] =	vst v60;
	v60 =	vld [tilespmem:$0x1FF20]  }
0x167: {  	[tilespmem:$0x1FF90] =	vst v0;
	v0 =	vld [tilespmem:$0x1FEA0]  }
0x168: {  	v32 =	vld [tilespmem:$0x1FED0]  }
0x169: {  	v21 =	vmul.f32 v39, v17;
	v39 =	vmul.f32 v59, v17;
	v59 =	vld [tilespmem:$0x1FF10]  }
0x16a: {  	v4 =	vld.idx.msk [tilespmem:v5+s19+$0x10 ss:$0x1], $0xffff  }
0x16b: {  	v19 =	vadd.f32 v19, v28;
	v28 =	vmul.f32 v60, v17;
	v60 =	vld.idx.msk [tilespmem:v6+s19+$0x40 ss:$0x1], $0xffff  }
0x16c: {  	v34 =	vld.idx.msk [tilespmem:v5+s19+$0x20 ss:$0x1], $0xffff  }
0x16d: {  	v23 =	vld.idx.msk [tilespmem:v6+s3+$0x81F0 ss:$0x1], $0xffff;
	v0 =	vmul.f32 v0, v11  }
0x16e: {  	v10 =	vmul.f32 v32, v11;
	v11 =	vmul.f32 v59, v11;
	v59 =	vld [tilespmem:$0x1FF30]  }
0x16f: {  	v12 =	vadd.f32 v28, v12;
	v28 =	vld [tilespmem:$0x1FF50]  }
0x170: {  	[tilespmem:$0x1FFC0] =	vst v60;
	v60 =	vld [tilespmem:$0x1FF40]  }
0x171: {  	v18 =	vld.idx.msk [tilespmem:v6+s3+$0xA1F0 ss:$0x1], $0xffff  }
0x172: {  	v27 =	vmul.f32 v27, v9;
	v29 =	vld.idx.msk [tilespmem:v5+s19+$0x40 ss:$0x1], $0xffff;
	v0 =	vadd.f32 v21, v0;
	v21 =	vadd.f32 v39, v56  }
0x173: {  	v32 =	vld.idx.msk [tilespmem:v5+s19+$0x30 ss:$0x1], $0xffff  }
0x174: {  	v21 =	vadd.f32 v27, v21;
	v27 =	vld [tilespmem:$0x1FF70];
	v39 =	vmul.f32 v59, v17;
	v59 =	vmul.f32 v28, v9  }
0x175: {  	v49 =	vmul.f32 v49, v9;
	v56 =	vmul.f32 v60, v17;
	v17 =	vld [tilespmem:$0x1FF60]  }
0x176: {  	v19 =	vadd.f32 v59, v19;
	v59 =	vld [tilespmem:$0x1FF80]  }
0x177: {  	v12 =	vadd.f32 v49, v12;
	v49 =	vld [tilespmem:$0x1FFF0]  }
0x178: {  	v28 =	vld.idx.msk [tilespmem:v5+s19+$0x50 ss:$0x1], $0xffff  }
0x179: {  	v44 =	vmul.f32 v44, v15;
	v60 =	vld.idx.msk [tilespmem:v5+s19+$0x60 ss:$0x1], $0xffff  }
0x17a: {  	v39 =	vadd.f32 v39, v10;
	v11 =	vadd.f32 v56, v11;
	v56 =	vld.idx.msk [tilespmem:v6+s19+$0x60 ss:$0x1], $0xffff;
	v10 =	vmul.f32 v17, v9  }
0x17b: {  	s16 =	sor.u32 s30, s16;
	v27 =	vmul.f32 v27, v9;
	v17 =	vld.idx.msk [tilespmem:v6+s19+$0x50 ss:$0x1], $0xffff;
	v9 =	vmul.f32 v59, v9  }
0x17c: {  	v0 =	vadd.f32 v10, v0;
	v10 =	vor.u32 s16, v49;
	s16 =	sor.u32 $0x5, s31;
	v49 =	vmul.f32 v43, v15;
	v43 =	vld.idx.msk [tilespmem:v6+s19+$0x70 ss:$0x1], $0xffff  }
0x17d: {  	v58 =	vmul.f32 v58, v42;
	v47 =	vmul.f32 v47, v42;
	[tilespmem:$0x1FFE0] =	vst v10;
	v10 =	vld.idx.msk [tilespmem:v5+s19+$0x70 ss:$0x1], $0xffff;
	s19 =	sshll.u32 s16, $0x7  }
0x17e: {  	v39 =	vadd.f32 v27, v39;
	v9 =	vadd.f32 v9, v11;
	v11 =	vmul.f32 v45, v15;
	v27 =	vld.idx.msk [tilespmem:v5+s19+$0x0 ss:$0x1], $0xffff  }
0x17f: {  	v37 =	vmul.f32 v37, v42;
	v59 =	vmul.f32 v50, v15;
	v50 =	vld.idx.msk [tilespmem:v6+s19+$0x0 ss:$0x1], $0xffff  }
0x180: {  	v19 =	vadd.f32 v44, v19;
	v45 =	vmul.f32 v48, v15;
	v48 =	vadd.f32 v11, v21;
	v11 =	vld.idx.msk [tilespmem:v5+s19+$0x10 ss:$0x1], $0xffff  }
0x181: {  	v15 =	vmul.f32 v51, v15;
	v39 =	vadd.f32 v59, v39;
	v59 =	vmul.f32 v52, v16;
	v51 =	vld.idx.msk [tilespmem:v6+s19+$0x10 ss:$0x1], $0xffff  }
0x182: {  	v31 =	vmul.f32 v31, v42;
	v25 =	vmul.f32 v25, v46;
	v21 =	vld.idx.msk [tilespmem:v5+s19+$0x20 ss:$0x1], $0xffff  }
0x183: {  	v33 =	vmul.f32 v33, v42;
	v52 =	vmul.f32 v54, v16;
	v59 =	vadd.f32 v59, v19;
	v19 =	vld.idx.msk [tilespmem:v5+s19+$0x30 ss:$0x1], $0xffff  }
0x184: {  	v54 =	vmul.f32 v63, v42;
	v63 =	vmul.f32 v24, v46;
	v44 =	vld.idx.msk [tilespmem:v6+s19+$0x30 ss:$0x1], $0xffff  }
0x185: {  	v0 =	vadd.f32 v49, v0;
	v12 =	vadd.f32 v45, v12;
	v45 =	vmul.f32 v53, v16;
	v42 =	vld.idx.msk [tilespmem:v6+s19+$0x50 ss:$0x1], $0xffff  }
0x186: {  	v9 =	vadd.f32 v15, v9;
	v15 =	vmul.f32 v55, v16;
	v49 =	vmul.f32 v62, v16;
	v24 =	vld.idx.msk [tilespmem:v6+s19+$0x60 ss:$0x1], $0xffff  }
0x187: {  	v16 =	vmul.f32 v41, v16;
	v41 =	vmul.f32 v30, v46;
	v30 =	vld.idx.msk [tilespmem:v6+s3+$0x4210 ss:$0x1], $0xffff  }
0x188: {  	v26 =	vmul.f32 v26, v46;
	v0 =	vadd.f32 v45, v0;
	v45 =	vld.idx.msk [tilespmem:v6+s19+$0x20 ss:$0x1], $0xffff;
	v15 =	vadd.f32 v15, v48  }
0x189: {  	v20 =	vmul.f32 v20, v61;
	v12 =	vadd.f32 v52, v12;
	v9 =	vadd.f32 v16, v9;
	v16 =	vld.idx.msk [tilespmem:v5+s19+$0x40 ss:$0x1], $0xffff  }
0x18a: {  	v13 =	vmul.f32 v13, v46;
	v39 =	vadd.f32 v49, v39;
	v37 =	vadd.f32 v37, v59;
	v48 =	vld.idx.msk [tilespmem:v6+s19+$0x40 ss:$0x1], $0xffff  }
0x18b: {  	v59 =	vmul.f32 v14, v46;
	v14 =	vld.idx.msk [tilespmem:v5+s19+$0x60 ss:$0x1], $0xffff;
	v0 =	vadd.f32 v33, v0;
	v55 =	vadd.f32 v54, v15  }
0x18c: {  	v7 =	vmul.f32 v7, v61;
	v49 =	vld.idx.msk [tilespmem:v6+s19+$0x70 ss:$0x1], $0xffff;
	v12 =	vadd.f32 v47, v12;
	v31 =	vadd.f32 v31, v39  }
0x18d: {  	v52 =	vmul.f32 v23, v61;
	v23 =	vld.idx.msk [tilespmem:v6+s3+$0x8200 ss:$0x1], $0xffff;
	v25 =	vadd.f32 v25, v37;
	v9 =	vadd.f32 v58, v9  }
0x18e: {  	v8 =	vmul.f32 v8, v61;
	v15 =	vld.idx.msk [tilespmem:v5+s19+$0x50 ss:$0x1], $0xffff;
	v62 =	vadd.f32 v59, v0;
	v33 =	vadd.f32 v13, v55  }
0x18f: {  	v22 =	vmul.f32 v22, v61;
	v37 =	vld.idx.msk [tilespmem:v6+s3+$0x2200 ss:$0x1], $0xffff;
	v7 =	vadd.f32 v7, v25;
	v12 =	vadd.f32 v63, v12  }
0x190: {  	v18 =	vmul.f32 v18, v61;
	v39 =	vld.idx.msk [tilespmem:v6+s3+$0xA200 ss:$0x1], $0xffff;
	v25 =	vadd.f32 v41, v31;
	v8 =	vadd.f32 v8, v62  }
0x191: {  	v13 =	vld.idx.msk [tilespmem:v5+s19+$0x70 ss:$0x1], $0xffff;
	v9 =	vadd.f32 v26, v9;
	v46 =	vperm.xlane v7, v57;
	v20 =	vadd.f32 v20, v33  }
0x192: {  	v26 =	vld.idx.msk [tilespmem:v6+s3+$0x4200 ss:$0x1], $0xffff;
	v12 =	vadd.f32 v22, v12;
	v22 =	vadd.f32 v52, v25;
	v47 =	vperm.xlane v8, v57  }
0x193: {  	v31 =	vld.idx.msk [tilespmem:v6+s3+$0x6200 ss:$0x1], $0xffff;
	v7 =	vadd.f32 v46, v7;
	v54 =	vperm.xlane v20, v57  }
0x194: {  	v41 =	vld.idx.msk [tilespmem:v6+s3+$0x2210 ss:$0x1], $0xffff;
	v9 =	vadd.f32 v18, v9;
	v59 =	vperm.xlane v22, v57;
	v8 =	vadd.f32 v47, v8  }
0x195: {  	v0 =	vld [tilespmem:$0x1FF90];
	v55 =	vperm.xlane v12, v57;
	v53 =	vperm.xlane v7, v1;
	v20 =	vadd.f32 v54, v20  }
0x196: {  	v52 =	vld.idx.msk [tilespmem:v6+s3+$0x8210 ss:$0x1], $0xffff;
	v61 =	vperm.xlane v9, v57;
	v18 =	vadd.f32 v59, v22;
	v58 =	vperm.xlane v8, v1  }
0x197: {  	v33 =	vld.idx.msk [tilespmem:v6+s3+$0xA220 ss:$0x1], $0xffff;
	v12 =	vadd.f32 v55, v12;
	v7 =	vadd.f32 v53, v7;
	v63 =	vperm.xlane v20, v1  }
0x198: {  	v46 =	vld.idx.msk [tilespmem:v6+s3+$0x6210 ss:$0x1], $0xffff;
	v9 =	vadd.f32 v61, v9;
	v25 =	vperm.xlane v18, v1;
	v8 =	vadd.f32 v58, v8  }
0x199: {  	v22 =	vld.idx.msk [tilespmem:v6+s3+$0xA210 ss:$0x1], $0xffff;
	v62 =	vperm.xlane v7, v2;
	v58 =	vperm.xlane v12, v1;
	v20 =	vadd.f32 v63, v20  }
0x19a: {  	v47 =	vld.idx.msk [tilespmem:v6+s3+$0x2220 ss:$0x1], $0xffff;
	v53 =	vperm.xlane v9, v1;
	v18 =	vadd.f32 v25, v18;
	v59 =	vperm.xlane v8, v2  }
0x19b: {  	v54 =	vld.idx.msk [tilespmem:v6+s3+$0x4220 ss:$0x1], $0xffff;
	v7 =	vadd.f32 v62, v7;
	v12 =	vadd.f32 v58, v12;
	v62 =	vperm.xlane v20, v2  }
0x19c: {  	v9 =	vadd.f32 v53, v9;
	v53 =	vld.idx.msk [tilespmem:v6+s3+$0x8220 ss:$0x1], $0xffff;
	v55 =	vperm.xlane v18, v2;
	v8 =	vadd.f32 v59, v8  }
0x19d: {  	v58 =	vld.idx.msk [tilespmem:v6+s3+$0x6220 ss:$0x1], $0xffff;
	v61 =	vperm.xlane v7, v3;
	v63 =	vperm.xlane v12, v2;
	v20 =	vadd.f32 v62, v20  }
0x19e: {  	v59 =	vperm.xlane v9, v2;
	v62 =	vld.idx.msk [tilespmem:v6+s3+$0x4230 ss:$0x1], $0xffff;
	v18 =	vadd.f32 v55, v18;
	v25 =	vperm.xlane v8, v3  }
0x19f: {  	v7 =	vadd.f32 v61, v7;
	v12 =	vadd.f32 v63, v12;
	v61 =	vld.idx.msk [tilespmem:v6+s3+$0x2230 ss:$0x1], $0xffff  }
0x1a0: {  	v59 =	vadd.f32 v59, v9;
	v63 =	vld.idx.msk [tilespmem:v6+s3+$0x6230 ss:$0x1], $0xffff;
	v8 =	vadd.f32 v25, v8;
	v25 =	vperm.xlane v20, v3  }
0x1a1: {  	v9 =	vsel vm5, v38, v35;
	v38 =	vld.idx.msk [tilespmem:v6+s3+$0xA230 ss:$0x1], $0xffff;
	v7 =	vnsel vm0, $0x0, v7;
	v55 =	vperm.xlane v12, v3  }
0x1a2: {  	v7 =	vsel vm1, v7, v8;
	v8 =	vadd.f32 v25, v20;
	v20 =	vld.idx.msk [tilespmem:v6+s3+$0x8230 ss:$0x1], $0xffff;
	v25 =	vperm.xlane v18, v3  }
0x1a3: {  	v40 =	vmul.f32 v40, v36;
	v35 =	vperm.xlane v59, v3;
	v12 =	vadd.f32 v55, v12;
	v55 =	vld.idx.msk [tilespmem:v6+s3+$0x2240 ss:$0x1], $0xffff  }
0x1a4: {  	v25 =	vadd.f32 v25, v18;
	v18 =	vmul.f32 v23, v36;
	v23 =	vmul.f32 v0, v4;
	v0 =	vld.idx.msk [tilespmem:v6+s3+$0x6240 ss:$0x1], $0xffff  }
0x1a5: {  	v7 =	vsel vm2, v7, v8;
	v8 =	vadd.f32 v35, v59;
	v35 =	vmul.f32 v41, v4;
	v41 =	vld.idx.msk [tilespmem:v6+s3+$0x8240 ss:$0x1], $0xffff  }
0x1a6: {  	v59 =	vmul.f32 v46, v4;
	v46 =	vmul.f32 v52, v4;
	v52 =	vld [tilespmem:$0x1FFA0]  }
0x1a7: {  	v7 =	vsel vm3, v7, v12;
	v12 =	vmul.f32 v26, v36;
	v26 =	vmul.f32 v31, v36;
	v31 =	vld.idx.msk [tilespmem:v6+s3+$0x4240 ss:$0x1], $0xffff  }
0x1a8: {  	v37 =	vmul.f32 v37, v36;
	v36 =	vmul.f32 v39, v36;
	v39 =	vld.idx.msk [tilespmem:v6+s3+$0x4250 ss:$0x1], $0xffff  }
0x1a9: {  	v23 =	vadd.f32 v23, v40;
	v40 =	vld.idx.msk [tilespmem:v6+s3+$0xA240 ss:$0x1], $0xffff  }
0x1aa: {  	v35 =	vadd.f32 v35, v37;
	v37 =	vld.idx.msk [tilespmem:v6+s3+$0x2250 ss:$0x1], $0xffff  }
0x1ab: {  	v18 =	vadd.f32 v46, v18;
	v46 =	vld.idx.msk [tilespmem:v6+s3+$0xA250 ss:$0x1], $0xffff  }
0x1ac: {  	v30 =	vmul.f32 v30, v4;
	v4 =	vmul.f32 v22, v4;
	v7 =	vsel vm4, v7, v25;
	v25 =	vld.idx.msk [tilespmem:v6+s3+$0xA2C0 ss:$0x1], $0xffff  }
0x1ad: {  	v26 =	vadd.f32 v59, v26;
	v59 =	vmul.f32 v47, v34;
	v47 =	vld.idx.msk [tilespmem:v6+s3+$0x6250 ss:$0x1], $0xffff  }
0x1ae: {  	v12 =	vadd.f32 v30, v12;
	v4 =	vadd.f32 v4, v36;
	v36 =	vld.idx.msk [tilespmem:v6+s3+$0x8250 ss:$0x1], $0xffff  }
0x1af: {  	v22 =	vmul.f32 v52, v34;
	v52 =	vmul.f32 v54, v34;
	v30 =	vadd.f32 v59, v35;
	v59 =	vld [tilespmem:$0x1FFB0]  }
0x1b0: {  	v54 =	vmul.f32 v58, v34;
	v58 =	vmul.f32 v53, v34;
	v53 =	vld.idx.msk [tilespmem:v6+s3+$0x4260 ss:$0x1], $0xffff  }
0x1b1: {  	v17 =	vmul.f32 v17, v28;
	v61 =	vmul.f32 v61, v32;
	v35 =	vld.idx.msk [tilespmem:v6+s3+$0x8260 ss:$0x1], $0xffff  }
0x1b2: {  	v22 =	vadd.f32 v22, v23;
	v23 =	vadd.f32 v54, v26;
	v26 =	vmul.f32 v33, v34;
	v34 =	vld.idx.msk [tilespmem:v6+s3+$0x2260 ss:$0x1], $0xffff  }
0x1b3: {  	v20 =	vmul.f32 v20, v32;
	v18 =	vadd.f32 v58, v18;
	v58 =	vmul.f32 v62, v32;
	v62 =	vld [tilespmem:$0x1FFC0]  }
0x1b4: {  	v12 =	vadd.f32 v52, v12;
	v30 =	vadd.f32 v61, v30;
	v61 =	vmul.f32 v38, v32;
	v38 =	vld.idx.msk [tilespmem:v6+s3+$0xA260 ss:$0x1], $0xffff  }
0x1b5: {  	v0 =	vmul.f32 v0, v29;
	v31 =	vmul.f32 v31, v29;
	v52 =	vld.idx.msk [tilespmem:v6+s3+$0x2270 ss:$0x1], $0xffff  }
0x1b6: {  	v54 =	vmul.f32 v41, v29;
	v41 =	vld.idx.msk [tilespmem:v6+s3+$0xA2A0 ss:$0x1], $0xffff;
	v12 =	vadd.f32 v58, v12;
	v58 =	vmul.f32 v37, v28  }
0x1b7: {  	v4 =	vadd.f32 v26, v4;
	v26 =	vld.idx.msk [tilespmem:v6+s3+$0x4270 ss:$0x1], $0xffff;
	v33 =	vmul.f32 v59, v32;
	v59 =	vmul.f32 v63, v32  }
0x1b8: {  	v18 =	vadd.f32 v20, v18;
	v37 =	vld.idx.msk [tilespmem:v6+s3+$0xA270 ss:$0x1], $0xffff;
	v63 =	vmul.f32 v55, v29;
	v55 =	vmul.f32 v40, v29  }
0x1b9: {  	v53 =	vmul.f32 v53, v60;
	v35 =	vmul.f32 v35, v60;
	v40 =	vld.idx.msk [tilespmem:v6+s3+$0x22A0 ss:$0x1], $0xffff;
	v4 =	vadd.f32 v61, v4  }
0x1ba: {  	v12 =	vadd.f32 v31, v12;
	v31 =	vld.idx.msk [tilespmem:v6+s3+$0x6270 ss:$0x1], $0xffff;
	v18 =	vadd.f32 v54, v18;
	v61 =	vmul.f32 v47, v28  }
0x1bb: {  	v54 =	vmul.f32 v43, v10;
	v43 =	vld.idx.msk [tilespmem:v6+s3+$0x22C0 ss:$0x1], $0xffff;
	v22 =	vadd.f32 v33, v22;
	v32 =	vmul.f32 v62, v29  }
0x1bc: {  	v33 =	vld.idx.msk [tilespmem:v6+s3+$0x6260 ss:$0x1], $0xffff;
	v23 =	vadd.f32 v59, v23;
	v20 =	vadd.f32 v63, v30;
	v59 =	vmul.f32 v39, v28  }
0x1bd: {  	v29 =	vld.idx.msk [tilespmem:v6+s3+$0x8270 ss:$0x1], $0xffff;
	v62 =	vmul.f32 v36, v28;
	v4 =	vadd.f32 v55, v4;
	v22 =	vadd.f32 v32, v22  }
0x1be: {  	v63 =	vmul.f32 v46, v28;
	v36 =	vld.idx.msk [tilespmem:v6+s3+$0x6280 ss:$0x1], $0xffff;
	v0 =	vadd.f32 v0, v23;
	v20 =	vadd.f32 v58, v20  }
0x1bf: {  	v46 =	vmul.f32 v56, v60;
	v39 =	vld.idx.msk [tilespmem:v6+s3+$0x8280 ss:$0x1], $0xffff;
	v12 =	vadd.f32 v59, v12;
	v17 =	vadd.f32 v17, v22  }
0x1c0: {  	v47 =	vmul.f32 v34, v60;
	v28 =	vld.idx.msk [tilespmem:v6+s3+$0xA280 ss:$0x1], $0xffff;
	v18 =	vadd.f32 v62, v18;
	v4 =	vadd.f32 v63, v4  }
0x1c1: {  	v34 =	vld.idx.msk [tilespmem:v6+s3+$0x2290 ss:$0x1], $0xffff;
	v38 =	vmul.f32 v38, v60;
	v0 =	vadd.f32 v61, v0;
	v17 =	vadd.f32 v46, v17  }
0x1c2: {  	v30 =	vld.idx.msk [tilespmem:v6+s3+$0x6290 ss:$0x1], $0xffff;
	v55 =	vmul.f32 v52, v10;
	v20 =	vadd.f32 v47, v20;
	v12 =	vadd.f32 v53, v12  }
0x1c3: {  	v23 =	vld.idx.msk [tilespmem:v6+s3+$0x2280 ss:$0x1], $0xffff;
	v56 =	vmul.f32 v26, v10;
	v18 =	vadd.f32 v35, v18;
	v17 =	vadd.f32 v54, v17  }
0x1c4: {  	v32 =	vld.idx.msk [tilespmem:v6+s3+$0x4280 ss:$0x1], $0xffff;
	v31 =	vmul.f32 v31, v10;
	v33 =	vmul.f32 v33, v60;
	v20 =	vadd.f32 v55, v20  }
0x1c5: {  	v26 =	vld.idx.msk [tilespmem:v6+s3+$0x4290 ss:$0x1], $0xffff;
	v29 =	vmul.f32 v29, v10;
	v12 =	vadd.f32 v56, v12;
	v58 =	vperm.xlane v17, v57  }
0x1c6: {  	v35 =	vld.idx.msk [tilespmem:v6+s3+$0x42A0 ss:$0x1], $0xffff;
	v4 =	vadd.f32 v38, v4;
	v0 =	vadd.f32 v33, v0;
	v59 =	vperm.xlane v20, v57  }
0x1c7: {  	v22 =	vld.idx.msk [tilespmem:v6+s3+$0x62A0 ss:$0x1], $0xffff;
	v18 =	vadd.f32 v29, v18;
	v60 =	vperm.xlane v12, v57;
	v17 =	vadd.f32 v58, v17  }
0x1c8: {  	v38 =	vld.idx.msk [tilespmem:v6+s3+$0xA290 ss:$0x1], $0xffff;
	v10 =	vmul.f32 v37, v10;
	v0 =	vadd.f32 v31, v0;
	v20 =	vadd.f32 v59, v20  }
0x1c9: {  	v37 =	vld.idx.msk [tilespmem:v6+s3+$0x42C0 ss:$0x1], $0xffff;
	v53 =	vperm.xlane v18, v57;
	v12 =	vadd.f32 v60, v12;
	v61 =	vperm.xlane v17, v1  }
0x1ca: {  	v46 =	vld.idx.msk [tilespmem:v6+s3+$0x22B0 ss:$0x1], $0xffff;
	v4 =	vadd.f32 v10, v4;
	v52 =	vperm.xlane v0, v57;
	v62 =	vperm.xlane v20, v1  }
0x1cb: {  	v33 =	vld.idx.msk [tilespmem:v6+s3+$0x8290 ss:$0x1], $0xffff;
	v18 =	vadd.f32 v53, v18;
	v63 =	vperm.xlane v12, v1;
	v17 =	vadd.f32 v61, v17  }
0x1cc: {  	v29 =	vld.idx.msk [tilespmem:v6+s3+$0x82A0 ss:$0x1], $0xffff;
	v54 =	vperm.xlane v4, v57;
	v0 =	vadd.f32 v52, v0;
	v10 =	vadd.f32 v62, v20  }
0x1cd: {  	v31 =	vld.idx.msk [tilespmem:v6+s3+$0x42B0 ss:$0x1], $0xffff;
	v53 =	vmul.f32 v26, v11;
	v12 =	vadd.f32 v63, v12;
	v55 =	vperm.xlane v17, v2  }
0x1ce: {  	v4 =	vadd.f32 v54, v4;
	v54 =	vld.idx.msk [tilespmem:v6+s3+$0xA2B0 ss:$0x1], $0xffff;
	v59 =	vperm.xlane v0, v1;
	v56 =	vperm.xlane v10, v2  }
0x1cf: {  	v26 =	vld.idx.msk [tilespmem:v6+s3+$0xA2E0 ss:$0x1], $0xffff;
	v60 =	vperm.xlane v18, v1;
	v58 =	vperm.xlane v12, v2;
	v17 =	vadd.f32 v55, v17  }
0x1d0: {  	v52 =	vld.idx.msk [tilespmem:v6+s3+$0x82B0 ss:$0x1], $0xffff;
	v61 =	vperm.xlane v4, v1;
	v0 =	vadd.f32 v59, v0;
	v10 =	vadd.f32 v56, v10  }
0x1d1: {  	v20 =	vld.idx.msk [tilespmem:v6+s3+$0x62B0 ss:$0x1], $0xffff;
	v18 =	vadd.f32 v60, v18;
	v12 =	vadd.f32 v58, v12;
	v62 =	vperm.xlane v17, v3  }
0x1d2: {  	v59 =	vld.idx.msk [tilespmem:v6+s3+$0x82C0 ss:$0x1], $0xffff;
	v4 =	vadd.f32 v61, v4;
	v61 =	vperm.xlane v0, v2;
	v63 =	vperm.xlane v10, v3  }
0x1d3: {  	v56 =	vld.idx.msk [tilespmem:v6+s3+$0x62C0 ss:$0x1], $0xffff;
	v60 =	vperm.xlane v12, v3;
	v17 =	vadd.f32 v62, v17;
	v62 =	vperm.xlane v18, v2  }
0x1d4: {  	v58 =	vld.idx.msk [tilespmem:v6+s3+$0x62D0 ss:$0x1], $0xffff;
	v0 =	vadd.f32 v61, v0;
	v47 =	vadd.f32 v63, v10;
	v63 =	vperm.xlane v4, v2  }
0x1d5: {  	v55 =	vld.idx.msk [tilespmem:v6+s3+$0x22D0 ss:$0x1], $0xffff;
	v12 =	vadd.f32 v60, v12;
	v10 =	vsel vm5, v7, v8;
	v18 =	vadd.f32 v62, v18  }
0x1d6: {  	v7 =	vperm.xlane v0, v3;
	v60 =	vadd.f32 v63, v4;
	v63 =	vmul.f32 v39, v27;
	v39 =	vld.idx.msk [tilespmem:v6+s3+$0x42E0 ss:$0x1], $0xffff  }
0x1d7: {  	v17 =	vnsel vm0, $0x0, v17;
	v62 =	vmul.f32 v50, v27;
	v50 =	vld.idx.msk [tilespmem:v6+s3+$0x82D0 ss:$0x1], $0xffff;
	v8 =	vperm.xlane v18, v3  }
0x1d8: {  	v23 =	vmul.f32 v23, v27;
	v0 =	vadd.f32 v7, v0;
	v4 =	vsel vm1, v17, v47;
	v47 =	vld.idx.msk [tilespmem:v6+s3+$0x42D0 ss:$0x1], $0xffff  }
0x1d9: {  	v61 =	vperm.xlane v60, v3;
	v7 =	vadd.f32 v8, v18;
	v8 =	vmul.f32 v32, v27;
	v32 =	vld.idx.msk [tilespmem:v6+s3+$0xA2D0 ss:$0x1], $0xffff  }
0x1da: {  	v4 =	vsel vm2, v4, v12;
	v18 =	vmul.f32 v36, v27;
	v27 =	vmul.f32 v28, v27;
	v28 =	vld.idx.msk [tilespmem:v6+s3+$0x22E0 ss:$0x1], $0xffff  }
0x1db: {  	v34 =	vmul.f32 v34, v11;
	v0 =	vsel vm3, v4, v0;
	v36 =	vld.idx.msk [tilespmem:v6+s3+$0x22F0 ss:$0x1], $0xffff  }
0x1dc: {  	v4 =	vsel vm4, v0, v7;
	v7 =	vadd.f32 v61, v60;
	v60 =	vmul.f32 v30, v11;
	v30 =	vld.idx.msk [tilespmem:v6+s3+$0x62E0 ss:$0x1], $0xffff  }
0x1dd: {  	v0 =	vmul.f32 v51, v11;
	v51 =	vmul.f32 v35, v21;
	v35 =	vld.idx.msk [tilespmem:v6+s3+$0x42F0 ss:$0x1], $0xffff  }
0x1de: {  	v22 =	vmul.f32 v22, v21;
	v61 =	vadd.f32 v34, v23;
	v8 =	vadd.f32 v53, v8;
	v53 =	vld [tilespmem:$0x1FFF0]  }
0x1df: {  	v34 =	vld.idx.msk [tilespmem:v6+s3+$0x62F0 ss:$0x1], $0xffff;
	v0 =	vadd.f32 v0, v62;
	v62 =	vmul.f32 v33, v11;
	v18 =	vadd.f32 v60, v18  }
0x1e0: {  	v33 =	vld.idx.msk [tilespmem:v6+s3+$0x82E0 ss:$0x1], $0xffff;
	v11 =	vmul.f32 v38, v11;
	v60 =	vadd.f32 v51, v8;
	v8 =	vmul.f32 v29, v21  }
0x1e1: {  	v29 =	vld.idx.msk [tilespmem:v6+s3+$0x82F0 ss:$0x1], $0xffff;
	v23 =	vadd.f32 v62, v63;
	v63 =	vmul.f32 v45, v21;
	v45 =	vmul.f32 v40, v21  }
0x1e2: {  	v31 =	vmul.f32 v31, v19;
	v27 =	vadd.f32 v11, v27;
	v21 =	vmul.f32 v41, v21;
	v41 =	vld.idx.msk [tilespmem:v6+s3+$0xA2F0 ss:$0x1], $0xffff  }
0x1e3: {  	v20 =	vmul.f32 v20, v19;
	v22 =	vadd.f32 v22, v18;
	v17 =	vadd.f32 v45, v61;
	v61 =	vld [tilespmem:$0x1FFF0]  }
0x1e4: {  	s2 =	sor.u32 s30, s2;
	v27 =	vadd.f32 v21, v27;
	v21 =	vld.idx.msk [tilespmem:v6+s3+$0x6300 ss:$0x1], $0xffff  }
0x1e5: {  	v31 =	vadd.f32 v31, v60;
	v12 =	vor.u32 s2, v53;
	s2 =	sor.u32 $0x6, s31;
	v60 =	vadd.f32 v20, v22;
	v22 =	vld.idx.msk [tilespmem:v6+s3+$0x8300 ss:$0x1], $0xffff  }
0x1e6: {  	v24 =	vmul.f32 v24, v14;
	v42 =	vmul.f32 v42, v15;
	s19 =	sshll.u32 s2, $0x7;
	v20 =	vld.idx.msk [tilespmem:v6+s3+$0xA300 ss:$0x1], $0xffff  }
0x1e7: {  	v25 =	vmul.f32 v25, v16;
	v43 =	vmul.f32 v43, v16;
	v18 =	vld.idx.msk [tilespmem:v5+s19+$0x0 ss:$0x1], $0xffff  }
0x1e8: {  	v37 =	vmul.f32 v37, v16;
	v62 =	vmul.f32 v44, v19;
	v23 =	vadd.f32 v8, v23;
	v8 =	vld.idx.msk [tilespmem:v6+s19+$0x0 ss:$0x1], $0xffff  }
0x1e9: {  	v53 =	vmul.f32 v52, v19;
	v0 =	vadd.f32 v63, v0;
	v63 =	vmul.f32 v46, v19;
	v44 =	vld.idx.msk [tilespmem:v6+s19+$0x10 ss:$0x1], $0xffff  }
0x1ea: {  	v46 =	vmul.f32 v59, v16;
	v59 =	vmul.f32 v33, v14;
	v33 =	vld.idx.msk [tilespmem:v6+s19+$0x20 ss:$0x1], $0xffff  }
0x1eb: {  	v52 =	vmul.f32 v58, v15;
	v58 =	vmul.f32 v49, v13;
	v51 =	vadd.f32 v63, v17;
	v17 =	vld.idx.msk [tilespmem:v6+s3+$0x2300 ss:$0x1], $0xffff  }
0x1ec: {  	v0 =	vadd.f32 v62, v0;
	v62 =	vmul.f32 v48, v16;
	v63 =	vmul.f32 v56, v16;
	v16 =	vld.idx.msk [tilespmem:v5+s19+$0x10 ss:$0x1], $0xffff  }
0x1ed: {  	v30 =	vmul.f32 v30, v14;
	v23 =	vadd.f32 v53, v23;
	v56 =	vmul.f32 v39, v14;
	v39 =	vld.idx.msk [tilespmem:v6+s3+$0x8310 ss:$0x1], $0xffff  }
0x1ee: {  	v48 =	vmul.f32 v55, v15;
	v53 =	vmul.f32 v50, v15;
	v40 =	vadd.f32 v43, v51;
	v43 =	vld.idx.msk [tilespmem:v6+s3+$0x4310 ss:$0x1], $0xffff  }
0x1ef: {  	v31 =	vadd.f32 v37, v31;
	v51 =	vmul.f32 v47, v15;
	v15 =	vmul.f32 v32, v15;
	v32 =	vld.idx.msk [tilespmem:v6+s3+$0x6310 ss:$0x1], $0xffff  }
0x1f0: {  	s17 =	sor.u32 s30, s17;
	v0 =	vadd.f32 v62, v0;
	v38 =	vadd.f32 v63, v60;
	v60 =	vmul.f32 v36, v13;
	v36 =	vld.idx.msk [tilespmem:v6+s3+$0x4320 ss:$0x1], $0xffff  }
0x1f1: {  	v23 =	vadd.f32 v46, v23;
	v11 =	vor.u32 s17, v61;
	v61 =	vmul.f32 v54, v19;
	v19 =	vld.idx.msk [tilespmem:v6+s3+$0x4300 ss:$0x1], $0xffff  }
0x1f2: {  	v29 =	vmul.f32 v29, v13;
	v55 =	vmul.f32 v28, v14;
	v0 =	vadd.f32 v42, v0;
	v42 =	vld.idx.msk [tilespmem:v6+s3+$0x2310 ss:$0x1], $0xffff  }
0x1f3: {  	v14 =	vmul.f32 v26, v14;
	v37 =	vadd.f32 v48, v40;
	v54 =	vadd.f32 v53, v23;
	v23 =	vld.idx.msk [tilespmem:v5+s19+$0x20 ss:$0x1], $0xffff  }
0x1f4: {  	v31 =	vadd.f32 v51, v31;
	v40 =	vmul.f32 v34, v13;
	v34 =	vld.idx.msk [tilespmem:v5+s19+$0x30 ss:$0x1], $0xffff;
	v27 =	vadd.f32 v61, v27  }
0x1f5: {  	v61 =	vmul.f32 v35, v13;
	v35 =	vld.idx.msk [tilespmem:v6+s3+$0x8320 ss:$0x1], $0xffff;
	v0 =	vadd.f32 v24, v0;
	v37 =	vadd.f32 v55, v37  }
0x1f6: {  	v13 =	vmul.f32 v41, v13;
	v41 =	vld.idx.msk [tilespmem:v6+s19+$0x40 ss:$0x1], $0xffff;
	v28 =	vadd.f32 v56, v31;
	v31 =	vadd.f32 v59, v54  }
0x1f7: {  	v8 =	vmul.f32 v8, v18;
	v25 =	vadd.f32 v25, v27;
	v27 =	vadd.f32 v52, v38;
	v38 =	vld.idx.msk [tilespmem:v6+s3+$0x2340 ss:$0x1], $0xffff  }
0x1f8: {  	v17 =	vmul.f32 v17, v18;
	v0 =	vadd.f32 v58, v0;
	v63 =	vadd.f32 v61, v28;
	v28 =	vld.idx.msk [tilespmem:v6+s3+$0x6320 ss:$0x1], $0xffff  }
0x1f9: {  	v43 =	vmul.f32 v43, v16;
	v24 =	vadd.f32 v60, v37;
	v37 =	vld.idx.msk [tilespmem:v6+s3+$0xA320 ss:$0x1], $0xffff;
	v15 =	vadd.f32 v15, v25  }
0x1fa: {  	v29 =	vadd.f32 v29, v31;
	v31 =	vld.idx.msk [tilespmem:v6+s3+$0x6330 ss:$0x1], $0xffff;
	v27 =	vadd.f32 v30, v27;
	v62 =	vperm.xlane v0, v57  }
0x1fb: {  	v30 =	vld.idx.msk [tilespmem:v6+s3+$0x2320 ss:$0x1], $0xffff;
	v45 =	vperm.xlane v24, v57;
	v46 =	vperm.xlane v63, v57;
	v14 =	vadd.f32 v14, v15  }
0x1fc: {  	v25 =	vld.idx.msk [tilespmem:v6+s3+$0xA310 ss:$0x1], $0xffff;
	v51 =	vperm.xlane v29, v57;
	v26 =	vadd.f32 v40, v27;
	v0 =	vadd.f32 v62, v0  }
0x1fd: {  	v42 =	vmul.f32 v42, v16;
	v27 =	vld.idx.msk [tilespmem:v6+s19+$0x30 ss:$0x1], $0xffff;
	v24 =	vadd.f32 v45, v24;
	v48 =	vadd.f32 v46, v63  }
0x1fe: {  	v40 =	vld.idx.msk [tilespmem:v6+s3+$0x2330 ss:$0x1], $0xffff;
	v29 =	vadd.f32 v51, v29;
	v49 =	vperm.xlane v26, v57;
	v47 =	vperm.xlane v0, v1  }
0x1ff: {  	v45 =	vld.idx.msk [tilespmem:v6+s3+$0x4330 ss:$0x1], $0xffff;
	v13 =	vadd.f32 v13, v14;
	v50 =	vperm.xlane v24, v1;
	v52 =	vperm.xlane v48, v1  }
0x200: {  	v17 =	vadd.f32 v42, v17;
	v51 =	vld.idx.msk [tilespmem:v6+s3+$0x4340 ss:$0x1], $0xffff;
	v58 =	vperm.xlane v29, v1;
	v30 =	vmul.f32 v30, v23  }
0x201: {  	v15 =	vadd.f32 v49, v26;
	v53 =	vperm.xlane v13, v57;
	v26 =	vld.idx.msk [tilespmem:v6+s3+$0x8330 ss:$0x1], $0xffff;
	v0 =	vadd.f32 v47, v0  }
0x202: {  	v49 =	vld.idx.msk [tilespmem:v5+s19+$0x40 ss:$0x1], $0xffff;
	v24 =	vadd.f32 v50, v24;
	v14 =	vadd.f32 v52, v48;
	v50 =	vmul.f32 v21, v18  }
0x203: {  	v47 =	vld.idx.msk [tilespmem:v6+s3+$0xA330 ss:$0x1], $0xffff;
	v17 =	vadd.f32 v30, v17;
	v40 =	vmul.f32 v40, v34;
	v55 =	vperm.xlane v15, v1  }
0x204: {  	v48 =	vld.idx.msk [tilespmem:v6+s3+$0x8340 ss:$0x1], $0xffff;
	v13 =	vadd.f32 v53, v13;
	v42 =	vmul.f32 v45, v34;
	v54 =	vperm.xlane v0, v2  }
0x205: {  	v29 =	vadd.f32 v58, v29;
	v52 =	vld.idx.msk [tilespmem:v6+s3+$0xA340 ss:$0x1], $0xffff;
	v56 =	vperm.xlane v24, v2;
	v59 =	vperm.xlane v14, v2  }
0x206: {  	v21 =	vld.idx.msk [tilespmem:v6+s3+$0x4350 ss:$0x1], $0xffff;
	v17 =	vadd.f32 v40, v17;
	v15 =	vadd.f32 v55, v15;
	v60 =	vperm.xlane v13, v1  }
0x207: {  	v30 =	vld.idx.msk [tilespmem:v6+s19+$0x70 ss:$0x1], $0xffff;
	v55 =	vmul.f32 v32, v16;
	v24 =	vadd.f32 v56, v24;
	v56 =	vperm.xlane v29, v2  }
0x208: {  	v53 =	vld.idx.msk [tilespmem:v6+s3+$0x6340 ss:$0x1], $0xffff;
	v0 =	vadd.f32 v54, v0;
	v54 =	vmul.f32 v44, v16;
	v26 =	vmul.f32 v26, v34  }
0x209: {  	v40 =	vld.idx.msk [tilespmem:v6+s3+$0x6380 ss:$0x1], $0xffff;
	v14 =	vadd.f32 v59, v14;
	v62 =	vperm.xlane v15, v2;
	v45 =	vmul.f32 v47, v34  }
0x20a: {  	v32 =	vld.idx.msk [tilespmem:v6+s3+$0x6360 ss:$0x1], $0xffff;
	v13 =	vadd.f32 v60, v13;
	v47 =	vmul.f32 v41, v49;
	v61 =	vperm.xlane v0, v3  }
0x20b: {  	v44 =	vld.idx.msk [tilespmem:v6+s3+$0x6350 ss:$0x1], $0xffff;
	v63 =	vperm.xlane v24, v3;
	v58 =	vperm.xlane v14, v3;
	v29 =	vadd.f32 v56, v29  }
0x20c: {  	v8 =	vadd.f32 v54, v8;
	v56 =	vmul.f32 v39, v16;
	v39 =	vld.idx.msk [tilespmem:v5+s19+$0x60 ss:$0x1], $0xffff;
	v16 =	vmul.f32 v25, v16  }
0x20d: {  	v25 =	vld.idx.msk [tilespmem:v6+s19+$0x60 ss:$0x1], $0xffff;
	v54 =	vmul.f32 v38, v49;
	v15 =	vadd.f32 v62, v15;
	v59 =	vperm.xlane v13, v2  }
0x20e: {  	v0 =	vadd.f32 v61, v0;
	v14 =	vadd.f32 v58, v14;
	v58 =	vmul.f32 v33, v23;
	v33 =	vld.idx.msk [tilespmem:v6+s3+$0x2360 ss:$0x1], $0xffff  }
0x20f: {  	v24 =	vadd.f32 v63, v24;
	v63 =	vmul.f32 v19, v18;
	v19 =	vadd.f32 v55, v50;
	v50 =	vld.idx.msk [tilespmem:v6+s3+$0x2370 ss:$0x1], $0xffff  }
0x210: {  	v55 =	vld.idx.msk [tilespmem:v6+s3+$0x4370 ss:$0x1], $0xffff;
	v17 =	vadd.f32 v54, v17;
	v60 =	vperm.xlane v15, v3;
	v46 =	vadd.f32 v59, v13  }
0x211: {  	v13 =	vsel vm5, v4, v7;
	v4 =	vperm.xlane v29, v3;
	v7 =	vld.idx.msk [tilespmem:v5+s19+$0x50 ss:$0x1], $0xffff;
	v59 =	vmul.f32 v36, v23  }
0x212: {  	v36 =	vmul.f32 v27, v34;
	v27 =	vld.idx.msk [tilespmem:v6+s3+$0x8360 ss:$0x1], $0xffff;
	v0 =	vnsel vm0, $0x0, v0;
	v8 =	vadd.f32 v58, v8  }
0x213: {  	v58 =	vld.idx.msk [tilespmem:v6+s3+$0x6370 ss:$0x1], $0xffff;
	v0 =	vsel vm1, v0, v24;
	v61 =	vadd.f32 v60, v15;
	v62 =	vperm.xlane v46, v3  }
0x214: {  	v24 =	vld.idx.msk [tilespmem:v6+s19+$0x50 ss:$0x1], $0xffff;
	v4 =	vadd.f32 v4, v29;
	v60 =	vmul.f32 v28, v23;
	v0 =	vsel vm2, v0, v14  }
0x215: {  	v29 =	vld.idx.msk [tilespmem:v6+s3+$0x2350 ss:$0x1], $0xffff;
	v14 =	vadd.f32 v43, v63;
	v63 =	vmul.f32 v37, v23;
	v8 =	vadd.f32 v36, v8  }
0x216: {  	v37 =	vld [tilespmem:$0x1FFF0];
	v43 =	vmul.f32 v31, v34;
	v0 =	vsel vm3, v0, v61;
	v15 =	vadd.f32 v62, v46  }
0x217: {  	v36 =	vld.idx.msk [tilespmem:v5+s19+$0x70 ss:$0x1], $0xffff;
	v62 =	vmul.f32 v35, v23;
	v4 =	vsel vm4, v0, v4;
	v0 =	vmul.f32 v22, v18  }
0x218: {  	v34 =	vld.idx.msk [tilespmem:v6+s3+$0x63A0 ss:$0x1], $0xffff;
	v18 =	vmul.f32 v20, v18;
	v61 =	vadd.f32 v59, v14;
	v59 =	vmul.f32 v53, v49  }
0x219: {  	s17 =	sor.u32 $0x7, s31;
	v46 =	vld.idx.msk [tilespmem:v6+s3+$0x8350 ss:$0x1], $0xffff;
	v8 =	vadd.f32 v47, v8;
	v21 =	vmul.f32 v21, v7;
	v41 =	vmul.f32 v44, v7  }
0x21a: {  	s19 =	sshll.u32 s17, $0x7;
	v35 =	vld.idx.msk [tilespmem:v6+s3+$0xA360 ss:$0x1], $0xffff;
	v44 =	vmul.f32 v33, v39;
	v47 =	vmul.f32 v32, v39;
	v0 =	vadd.f32 v56, v0  }
0x21b: {  	v23 =	vld.idx.msk [tilespmem:v6+s19+$0x50 ss:$0x1], $0xffff;
	v16 =	vadd.f32 v16, v18;
	v18 =	vadd.f32 v60, v19;
	v56 =	vmul.f32 v51, v49  }
0x21c: {  	s18 =	sor.u32 s30, s18;
	v22 =	vld.idx.msk [tilespmem:v6+s3+$0xA350 ss:$0x1], $0xffff;
	v19 =	vadd.f32 v42, v61;
	v60 =	vmul.f32 v48, v49;
	v24 =	vmul.f32 v24, v7  }
0x21d: {  	v20 =	vld.idx.msk [tilespmem:v6+s3+$0x4360 ss:$0x1], $0xffff;
	v42 =	vmul.f32 v25, v39;
	v48 =	vmul.f32 v27, v39;
	v14 =	vor.u32 s18, v37  }
0x21e: {  	v61 =	vld.idx.msk [tilespmem:v6+s3+$0x8370 ss:$0x1], $0xffff;
	v37 =	vmul.f32 v29, v7;
	v0 =	vadd.f32 v62, v0;
	v16 =	vadd.f32 v63, v16  }
0x21f: {  	v27 =	vld.idx.msk [tilespmem:v6+s19+$0x30 ss:$0x1], $0xffff;
	v51 =	vmul.f32 v58, v36;
	v18 =	vadd.f32 v43, v18;
	v19 =	vadd.f32 v56, v19  }
0x220: {  	v29 =	vld.idx.msk [tilespmem:v5+s19+$0x0 ss:$0x1], $0xffff;
	v62 =	vmul.f32 v52, v49;
	v8 =	vadd.f32 v24, v8;
	v43 =	vmul.f32 v46, v7  }
0x221: {  	v63 =	vld.idx.msk [tilespmem:v6+s3+$0xA370 ss:$0x1], $0xffff;
	v54 =	vmul.f32 v35, v39;
	v17 =	vadd.f32 v37, v17;
	v0 =	vadd.f32 v26, v0  }
0x222: {  	v24 =	vld.idx.msk [tilespmem:v5+s19+$0x20 ss:$0x1], $0xffff;
	v7 =	vmul.f32 v22, v7;
	v16 =	vadd.f32 v45, v16;
	v18 =	vadd.f32 v59, v18  }
0x223: {  	v35 =	vld.idx.msk [tilespmem:v6+s3+$0x4380 ss:$0x1], $0xffff;
	v19 =	vadd.f32 v21, v19;
	v8 =	vadd.f32 v42, v8;
	v45 =	vmul.f32 v30, v36  }
0x224: {  	v20 =	vmul.f32 v20, v39;
	v30 =	vld.idx.msk [tilespmem:v6+s19+$0x20 ss:$0x1], $0xffff;
	v17 =	vadd.f32 v44, v17;
	v0 =	vadd.f32 v60, v0  }
0x225: {  	v42 =	vld.idx.msk [tilespmem:v6+s3+$0x8380 ss:$0x1], $0xffff;
	v16 =	vadd.f32 v62, v16;
	v46 =	vadd.f32 v45, v8;
	v8 =	vmul.f32 v50, v36  }
0x226: {  	v21 =	vld.idx.msk [tilespmem:v5+s19+$0x30 ss:$0x1], $0xffff;
	v18 =	vadd.f32 v41, v18;
	v50 =	vmul.f32 v55, v36;
	v55 =	vmul.f32 v61, v36  }
0x227: {  	v25 =	vld.idx.msk [tilespmem:v6+s19+$0x40 ss:$0x1], $0xffff;
	v20 =	vadd.f32 v20, v19;
	v40 =	vmul.f32 v40, v29;
	v36 =	vmul.f32 v63, v36  }
0x228: {  	v19 =	vld.idx.msk [tilespmem:v5+s19+$0x50 ss:$0x1], $0xffff;
	v35 =	vmul.f32 v35, v29;
	v34 =	vmul.f32 v34, v24;
	v0 =	vadd.f32 v43, v0  }
0x229: {  	v22 =	vld.idx.msk [tilespmem:v6+s19+$0x60 ss:$0x1], $0xffff;
	v7 =	vadd.f32 v7, v16;
	v17 =	vadd.f32 v8, v17;
	v49 =	vperm.xlane v46, v57  }
0x22a: {  	v63 =	vld.idx.msk [tilespmem:v6+s3+$0x2380 ss:$0x1], $0xffff;
	v16 =	vadd.f32 v47, v18;
	v18 =	vadd.f32 v50, v20;
	v42 =	vmul.f32 v42, v29  }
0x22b: {  	v8 =	vld.idx.msk [tilespmem:v5+s19+$0x40 ss:$0x1], $0xffff;
	v30 =	vmul.f32 v30, v24;
	v27 =	vmul.f32 v27, v21;
	v0 =	vadd.f32 v48, v0  }
0x22c: {  	v20 =	vld.idx.msk [tilespmem:v6+s19+$0x70 ss:$0x1], $0xffff;
	v52 =	vadd.f32 v49, v46;
	v53 =	vperm.xlane v17, v57;
	v26 =	vadd.f32 v51, v16  }
0x22d: {  	v16 =	vld.idx.msk [tilespmem:v5+s19+$0x60 ss:$0x1], $0xffff;
	v32 =	vadd.f32 v54, v7;
	v58 =	vperm.xlane v18, v57;
	v23 =	vmul.f32 v23, v19  }
0x22e: {  	v7 =	vld.idx.msk [tilespmem:v5+s19+$0x70 ss:$0x1], $0xffff;
	v56 =	vperm.xlane v52, v1;
	v17 =	vadd.f32 v53, v17;
	v0 =	vadd.f32 v55, v0  }
0x22f: {  	v37 =	vld.idx.msk [tilespmem:v5+s19+$0x10 ss:$0x1], $0xffff;
	v60 =	vperm.xlane v26, v57;
	v18 =	vadd.f32 v58, v18;
	v63 =	vmul.f32 v63, v29  }
0x230: {  	v32 =	vadd.f32 v36, v32;
	v53 =	vld.idx.msk [tilespmem:v6+s3+$0x4390 ss:$0x1], $0xffff;
	v25 =	vmul.f32 v25, v8;
	v59 =	vperm.xlane v17, v1  }
0x231: {  	v38 =	vld.idx.msk [tilespmem:v6+s3+$0xA380 ss:$0x1], $0xffff;
	v31 =	vadd.f32 v56, v52;
	v61 =	vperm.xlane v0, v57;
	v44 =	vperm.xlane v18, v1  }
0x232: {  	v28 =	vld.idx.msk [tilespmem:v6+s19+$0x0 ss:$0x1], $0xffff;
	v26 =	vadd.f32 v60, v26;
	v48 =	vperm.xlane v32, v57;
	v22 =	vmul.f32 v22, v16  }
0x233: {  	v33 =	vld.idx.msk [tilespmem:v6+s19+$0x10 ss:$0x1], $0xffff;
	v20 =	vmul.f32 v20, v7;
	v62 =	vperm.xlane v31, v2  }
0x234: {  	v39 =	vld.idx.msk [tilespmem:v6+s3+$0xA390 ss:$0x1], $0xffff;
	v17 =	vadd.f32 v59, v17;
	v0 =	vadd.f32 v61, v0;
	v46 =	vperm.xlane v26, v1  }
0x235: {  	v41 =	vld.idx.msk [tilespmem:v6+s3+$0x8390 ss:$0x1], $0xffff;
	v18 =	vadd.f32 v44, v18;
	v32 =	vadd.f32 v48, v32;
	v53 =	vmul.f32 v53, v37  }
0x236: {  	v4 =	vsel vm5, v4, v15;
	v48 =	vld.idx.msk [tilespmem:v6+s3+$0x83A0 ss:$0x1], $0xffff;
	v45 =	vperm.xlane v17, v2;
	v47 =	vperm.xlane v0, v1  }
0x237: {  	v36 =	vld.idx.msk [tilespmem:v6+s3+$0x2390 ss:$0x1], $0xffff;
	v31 =	vadd.f32 v62, v31;
	v50 =	vperm.xlane v18, v2;
	v55 =	vperm.xlane v32, v1  }
0x238: {  	v56 =	vld.idx.msk [tilespmem:v6+s3+$0x6390 ss:$0x1], $0xffff;
	v26 =	vadd.f32 v46, v26;
	v62 =	vmul.f32 v28, v29;
	v29 =	vmul.f32 v38, v29  }
0x239: {  	v38 =	vld.idx.msk [tilespmem:v6+s3+$0x23E0 ss:$0x1], $0xffff;
	v49 =	vperm.xlane v31, v3;
	v17 =	vadd.f32 v45, v17;
	v0 =	vadd.f32 v47, v0  }
0x23a: {  	v52 =	vperm.xlane v26, v2;
	v18 =	vadd.f32 v50, v18;
	v32 =	vadd.f32 v55, v32;
	v47 =	vld.idx.msk [tilespmem:v6+s3+$0x43A0 ss:$0x1], $0xffff  }
0x23b: {  	v50 =	vld.idx.msk [tilespmem:v6+s3+$0xA3A0 ss:$0x1], $0xffff;
	v46 =	vmul.f32 v48, v24;
	v31 =	vadd.f32 v49, v31;
	v51 =	vperm.xlane v17, v3  }
0x23c: {  	v55 =	vld.idx.msk [tilespmem:v6+s3+$0x43B0 ss:$0x1], $0xffff;
	v54 =	vperm.xlane v0, v2;
	v26 =	vadd.f32 v52, v26;
	v58 =	vperm.xlane v18, v3  }
0x23d: {  	v48 =	vld.idx.msk [tilespmem:v6+s3+$0x63C0 ss:$0x1], $0xffff;
	v45 =	vperm.xlane v32, v2;
	v31 =	vnsel vm0, $0x0, v31;
	v17 =	vadd.f32 v51, v17  }
0x23e: {  	v52 =	vld.idx.msk [tilespmem:v6+s3+$0x23B0 ss:$0x1], $0xffff;
	v0 =	vadd.f32 v54, v0;
	v60 =	vperm.xlane v26, v3;
	v51 =	vmul.f32 v36, v37  }
0x23f: {  	v18 =	vadd.f32 v58, v18;
	v54 =	vmul.f32 v56, v37;
	v59 =	vsel vm1, v31, v17;
	v31 =	vld.idx.msk [tilespmem:v6+s3+$0x23A0 ss:$0x1], $0xffff  }
0x240: {  	v58 =	vmul.f32 v41, v37;
	v56 =	vadd.f32 v51, v63;
	v63 =	vmul.f32 v47, v24;
	v47 =	vld.idx.msk [tilespmem:v6+s3+$0x43C0 ss:$0x1], $0xffff  }
0x241: {  	v61 =	vperm.xlane v0, v3;
	v17 =	vadd.f32 v60, v26;
	v60 =	vadd.f32 v54, v40;
	v54 =	vld.idx.msk [tilespmem:v6+s3+$0x23D0 ss:$0x1], $0xffff  }
0x242: {  	v28 =	vadd.f32 v58, v42;
	v51 =	vmul.f32 v55, v21;
	v42 =	vld.idx.msk [tilespmem:v6+s3+$0x23F0 ss:$0x1], $0xffff;
	v15 =	vsel vm2, v59, v18  }
0x243: {  	v18 =	vadd.f32 v45, v32;
	v59 =	vld.idx.msk [tilespmem:v6+s3+$0x63B0 ss:$0x1], $0xffff;
	v32 =	vadd.f32 v53, v35;
	v49 =	vmul.f32 v52, v21  }
0x244: {  	v45 =	vld.idx.msk [tilespmem:v6+s3+$0x23C0 ss:$0x1], $0xffff;
	v15 =	vsel vm3, v15, v17;
	v17 =	vadd.f32 v61, v0;
	v0 =	vmul.f32 v33, v37  }
0x245: {  	v37 =	vmul.f32 v39, v37;
	v61 =	vld.idx.msk [tilespmem:v6+s3+$0x83B0 ss:$0x1], $0xffff;
	v34 =	vadd.f32 v34, v60;
	v28 =	vadd.f32 v46, v28  }
0x246: {  	v52 =	vld.idx.msk [tilespmem:v6+s3+$0xA3C0 ss:$0x1], $0xffff;
	v32 =	vadd.f32 v63, v32;
	v0 =	vadd.f32 v0, v62;
	v31 =	vmul.f32 v31, v24  }
0x247: {  	v62 =	vld.idx.msk [tilespmem:v6+s3+$0xA3B0 ss:$0x1], $0xffff;
	v29 =	vadd.f32 v37, v29;
	v24 =	vmul.f32 v50, v24;
	v60 =	vmul.f32 v47, v8  }
0x248: {  	v50 =	vld.idx.msk [tilespmem:v6+s3+$0x83C0 ss:$0x1], $0xffff;
	v41 =	vmul.f32 v54, v19;
	v0 =	vadd.f32 v30, v0;
	v33 =	vmul.f32 v59, v21  }
0x249: {  	v47 =	vld.idx.msk [tilespmem:v6+s3+$0x63E0 ss:$0x1], $0xffff;
	v58 =	vmul.f32 v45, v8;
	v26 =	vadd.f32 v31, v56;
	v24 =	vadd.f32 v24, v29  }
0x24a: {  	v59 =	vld.idx.msk [tilespmem:v6+s3+$0x63D0 ss:$0x1], $0xffff;
	v53 =	vmul.f32 v61, v21;
	v29 =	vadd.f32 v51, v32;
	v0 =	vadd.f32 v27, v0  }
0x24b: {  	v45 =	vld.idx.msk [tilespmem:v6+s3+$0x43E0 ss:$0x1], $0xffff;
	v61 =	vmul.f32 v48, v8;
	v55 =	vadd.f32 v33, v34;
	v26 =	vadd.f32 v49, v26  }
0x24c: {  	v56 =	vld.idx.msk [tilespmem:v6+s3+$0x43D0 ss:$0x1], $0xffff;
	v21 =	vmul.f32 v62, v21;
	v27 =	vadd.f32 v53, v28;
	v49 =	vmul.f32 v38, v16  }
0x24d: {  	v62 =	vld.idx.msk [tilespmem:v6+s3+$0x83D0 ss:$0x1], $0xffff;
	v53 =	vmul.f32 v42, v7;
	v0 =	vadd.f32 v25, v0;
	v36 =	vmul.f32 v50, v8  }
0x24e: {  	v40 =	vld.idx.msk [tilespmem:v6+s3+$0xA3D0 ss:$0x1], $0xffff;
	v39 =	vadd.f32 v61, v55;
	v8 =	vmul.f32 v52, v8;
	v21 =	vadd.f32 v21, v24  }
0x24f: {  	v50 =	vld.idx.msk [tilespmem:v6+s3+$0x83E0 ss:$0x1], $0xffff;
	v63 =	vadd.f32 v58, v26;
	v24 =	vadd.f32 v60, v29;
	v44 =	vmul.f32 v59, v19  }
0x250: {  	v52 =	vld.idx.msk [tilespmem:v6+s3+$0xA3E0 ss:$0x1], $0xffff;
	v55 =	vmul.f32 v45, v16;
	v58 =	vmul.f32 v47, v16;
	v26 =	vadd.f32 v36, v27  }
0x251: {  	v59 =	vld.idx.msk [tilespmem:v6+s3+$0x83F0 ss:$0x1], $0xffff;
	v43 =	vmul.f32 v56, v19;
	v0 =	vadd.f32 v23, v0;
	v8 =	vadd.f32 v8, v21  }
0x252: {  	v56 =	vld.idx.msk [tilespmem:v6+s3+$0x63F0 ss:$0x1], $0xffff;
	v46 =	vadd.f32 v41, v63;
	v48 =	vadd.f32 v44, v39;
	v51 =	vmul.f32 v62, v19  }
0x253: {  	v54 =	vld.idx.msk [tilespmem:v6+s3+$0x43F0 ss:$0x1], $0xffff;
	v21 =	vadd.f32 v43, v24;
	v0 =	vadd.f32 v22, v0;
	v19 =	vmul.f32 v40, v19  }
0x254: {  	v60 =	vld.idx.msk [tilespmem:v6+s3+$0xA3F0 ss:$0x1], $0xffff;
	v23 =	vadd.f32 v49, v46;
	v28 =	vmul.f32 v50, v16;
	v26 =	vadd.f32 v51, v26  }
0x255: {  	v16 =	vmul.f32 v52, v16;
	v0 =	vadd.f32 v20, v0;
	v8 =	vadd.f32 v19, v8  }
0x256: {  	v21 =	vadd.f32 v55, v21;
	v30 =	vmul.f32 v59, v7;
	v23 =	vadd.f32 v53, v23  }
0x257: {  	v19 =	vadd.f32 v58, v48;
	v20 =	vmul.f32 v56, v7;
	v61 =	vperm.xlane v0, v57  }
0x258: {  	v63 =	vadd.f32 v28, v26;
	v28 =	vmul.f32 v54, v7;
	v62 =	vperm.xlane v23, v57  }
0x259: {  	v8 =	vadd.f32 v16, v8;
	v7 =	vmul.f32 v60, v7;
	v0 =	vadd.f32 v61, v0  }
0x25a: {  	v54 =	vperm.xlane v18, v3;
	v21 =	vadd.f32 v28, v21;
	v29 =	vadd.f32 v62, v23  }
0x25b: {  	v19 =	vadd.f32 v20, v19;
	v22 =	vadd.f32 v30, v63;
	v31 =	vperm.xlane v0, v1  }
0x25c: {  	v7 =	vadd.f32 v7, v8;
	v33 =	vperm.xlane v21, v57;
	v32 =	vperm.xlane v29, v1  }
0x25d: {  	v63 =	vsel vm4, v15, v17;
	v34 =	vperm.xlane v19, v57;
	v0 =	vadd.f32 v31, v0  }
0x25e: {  	v36 =	vperm.xlane v22, v57;
	v21 =	vadd.f32 v33, v21;
	v8 =	vadd.f32 v32, v29  }
0x25f: {  	v38 =	vperm.xlane v7, v57;
	v16 =	vadd.f32 v34, v19;
	v35 =	vperm.xlane v0, v2  }
0x260: {  	v22 =	vadd.f32 v36, v22;
	v39 =	vperm.xlane v21, v1;
	v37 =	vperm.xlane v8, v2  }
0x261: {  	v7 =	vadd.f32 v38, v7;
	v40 =	vperm.xlane v16, v1;
	v0 =	vadd.f32 v35, v0  }
0x262: {  	v42 =	vperm.xlane v22, v1;
	v20 =	vadd.f32 v39, v21;
	v8 =	vadd.f32 v37, v8  }
0x263: {  	v49 =	vld [tilespmem:$0x1FFF0];
	v43 =	vperm.xlane v7, v1;
	v16 =	vadd.f32 v40, v16;
	v41 =	vperm.xlane v0, v3  }
0x264: {  	v48 =	vld [tilespmem:$0x1FFE0];
	v44 =	vadd.f32 v42, v22;
	v45 =	vperm.xlane v20, v2;
	v24 =	vperm.xlane v8, v3  }
0x265: {  	v56 =	vld [tilespmem:$0x1FFF0];
	v7 =	vadd.f32 v43, v7;
	v46 =	vperm.xlane v16, v2;
	v0 =	vadd.f32 v41, v0  }
0x266: {  	v58 =	vld [tilespmem:$0x1FFF0];
	v50 =	vperm.xlane v44, v2;
	v20 =	vadd.f32 v45, v20;
	v8 =	vadd.f32 v24, v8  }
0x267: {  	v52 =	vperm.xlane v7, v2;
	v51 =	vadd.f32 v46, v16;
	v0 =	vnsel vm0, $0x0, v0  }
0x268: {  	s16 =	sor.u32 s30, s16;
	v47 =	vld [tilespmem:$0x1FFD0];
	v53 =	vadd.f32 v50, v44;
	v0 =	vsel vm1, v0, v8;
	v8 =	vperm.xlane v20, v3  }
0x269: {  	s2 =	sor.u32 s30, s2;
	[tilespmem:v12+s21+$0x0] =	vst.idx.msk $0x3f, v9;
	v23 =	vor.u32 s16, v49;
	v7 =	vadd.f32 v52, v7;
	v55 =	vperm.xlane v51, v3  }
0x26a: {  	[tilespmem:v11+s21+$0x0] =	vst.idx.msk $0x3f, v10;
	s18 =	sor.u32 s30, s17;
	v10 =	vor.u32 s2, v56;
	v59 =	vperm.xlane v53, v3;
	v8 =	vadd.f32 v8, v20  }
0x26b: {  	p0 =	slt.u32 s31, $0x38;
	[tilespmem:v14+s21+$0x0] =	vst.idx.msk $0x3f, v13;
	v61 =	vor.u32 s18, v58;
	v60 =	vperm.xlane v7, v3;
	v9 =	vadd.f32 v55, v51  }
.Ltmp0:
0x26c: {  	v62 =	vadd.f32 v54, v18;
	v0 =	vsel vm2, v0, v8;
	v8 =	vadd.f32 v59, v53;
	(pc) =	sbr.rel @p0 .LBB2_4-.Ltmp0, $4  }
0x26d: {  	[tilespmem:v48+s21+$0x0] =	vst.idx.msk $0x3f, v47;
	v7 =	vadd.f32 v60, v7;
	v0 =	vsel vm3, v0, v9  }
0x26e: {  	[tilespmem:v23+s21+$0x0] =	vst.idx.msk $0x3f, v4;
	v4 =	vsel vm5, v63, v62;
	v0 =	vsel vm4, v0, v8  }
0x26f: {  	s19 =	sadd.s32 $0x8, s31;
	[tilespmem:v10+s21+$0x0] =	vst.idx.msk $0x3f, v4;
	v0 =	vsel vm5, v0, v7  }
0x270: {  	s31 =	smov.u32 s19;
	[tilespmem:v61+s21+$0x0] =	vst.idx.msk $0x3f, v0  }
0x271: {  	p0 =	seq.s32 s29, $0x8  }
.Ltmp1:
0x272: {  	_ = 	snop;
	(pc) =	sbr.rel @!p0 .LBB2_3-.Ltmp1, $1  }
0x273: {  	_ =	sdelay $0x3  }
0x274: {  	[hbm4b:s7+s4] =	stream.linear.scatter [tilespmem:s21], [sflag:$0x2], $0x200, $0x38;
	[tilespmem:$0x1DA00] =	vst v63  }
0x275: {  	_ =	swait.ge [sflag:s14], $0x200  }
0x276: {  	[sflag:s14] =	ssyncset.done $0x0  }
0x277: {  	[sflag:s14] =	ssyncadd.s32 $0xFFFFFE00  }
0x278: {  	[hbm4b:s8+s4] =	stream.linear.scatter [tilespmem:s22], [sflag:$0x2], $0x200, $0x38;
	[tilespmem:$0x1DA00] =	vst v63  }
0x279: {  	_ =	swait.ge [sflag:s14], $0x200  }
0x27a: {  	[sflag:s14] =	ssyncset.done $0x0  }
0x27b: {  	[sflag:s14] =	ssyncadd.s32 $0xFFFFFE00  }
0x27c: {  	[hbm4b:s9+s4] =	stream.linear.scatter [tilespmem:s23], [sflag:$0x2], $0x200, $0x38;
	[tilespmem:$0x1DA00] =	vst v63  }
0x27d: {  	_ =	swait.ge [sflag:s14], $0x200  }
0x27e: {  	[sflag:s14] =	ssyncset.done $0x0  }
0x27f: {  	[sflag:s14] =	ssyncadd.s32 $0xFFFFFE00  }
0x280: {  	[hbm4b:s10+s4] =	stream.linear.scatter [tilespmem:s24], [sflag:$0x2], $0x200, $0x38;
	[tilespmem:$0x1DA00] =	vst v63  }
0x281: {  	_ =	swait.ge [sflag:s14], $0x200  }
0x282: {  	[sflag:s14] =	ssyncset.done $0x0  }
0x283: {  	[sflag:s14] =	ssyncadd.s32 $0xFFFFFE00  }
0x284: {  	[hbm4b:s11+s4] =	stream.linear.scatter [tilespmem:s25], [sflag:$0x2], $0x200, $0x38;
	[tilespmem:$0x1DA00] =	vst v63  }
0x285: {  	s28 =	sadd.s32 $0x1, s28;
	_ =	swait.ge [sflag:s14], $0x200  }
0x286: {  	p0 =	sne.s32 s28, s13;
	[sflag:s14] =	ssyncset.done $0x0  }
.Ltmp2:
0x287: {  	[sflag:s14] =	ssyncadd.s32 $0xFFFFFE00;
	(pc) =	sbr.rel @p0 .LBB2_1-.Ltmp2, $4  }
0x288: {  	[hbm4b:s12+s4] =	stream.linear.scatter [tilespmem:s26], [sflag:$0x2], $0x200, $0x38;
	[tilespmem:$0x1DA00] =	vst v63  }
0x289: {  	_ =	swait.ge [sflag:s14], $0x200  }
0x28a: {  	[sflag:s14] =	ssyncset.done $0x0  }
0x28b: {  	[sflag:s14] =	ssyncadd.s32 $0xFFFFFE00  }
0x28c: {  	_ =	sfence.sel $0x180000  }
0x28d: {  	[bflag:$0x0] =	sbarrier.arrive $0xFFFF  }
0x28e: {  	_ =	strace $0x90000047  }
0x28f: {  	s0 =	stileid.u32;
	[bflag:$0x2] =	sbarrier.arrive $0xFFFF  }
0x290: {  	p0 =	sne.s32 s0, $0x0;
	s0 =	rddreg [dreg:$0x4]  }
0x291: {  	s0 =	sadd.s32 @!p0 $0x100000, s0  }
0x292: {  	[sflag:s0] =	ssyncadd.tile.s32 @!p0 $0x1;
	_ =	shalt  }
.Lfunc_end2:
_tile_overlayer_lowered:
.L_overlay_start_2:
0x293: {  	(tag) =	ssettag $0x2  }
0x294: {  	s0 =	rddreg [dreg:$0x0];
	s2 =	stileid.u32  }
0x295: {  	s1 =	rddreg [dreg:$0x1];
	p0 =	sne.s32 s2, $0x0  }
0x296: {  	s3 =	rddreg [dreg:$0x2];
	[bflag:$0x3] =	sbarrier.arrive $0xFFFF;
	s2 =	simm.s32 @!p0 $0x1C02  }
0x297: {  	[timem:s3], [sflag:s2] =	dma.local @!p0 [hbm:s0], s1  }
0x298: {  	s0 =	simm.s32 @!p0 $0x2  }
0x299: {  	_ =	swait.ge @!p0 [sflag:s0], s1  }
0x29a: {  	s1 =	ssub.s32 @!p0 $0x0, s1;
	[sflag:s0] =	ssyncset.done @!p0 $0x0  }
0x29b: {  	[sflag:s0] =	ssyncadd.s32 @!p0 s1  }
0x29c: {  	[bflag:$0x3] =	sbarrier.arrive $0xFFFF  }
0x29d: {  	_ =	shalt  }

</sc_bundles>
